<compile_context>
chip_gen: v7x
topology: tpu7x:2x2x1
jax: 0.10.2.dev20260603
libtpu: 0.0.44.dev20260713+nightly
codegen_flags: <defaults>
</compile_context>

<pallas_src>
import functools

import jax
import jax.numpy as jnp
from jax import lax
from jax.experimental import pallas as pl
from jax.experimental.pallas import tpu as pltpu
from jax.experimental.pallas import tpu_sc as plsc

FEAT = 512
CDIM = 256
K = 1024
B = 32
T = 128
NTOK = B * T
CHUNK = 1024
NCH = 2
BLK = CHUNK * NCH
NBLK = NTOK // BLK
CPB = CHUNK // T

_DN = (((1,), (1,)), ((), ()))


def _ln(h, g, b):
    m = jnp.mean(h, axis=-1, keepdims=True)
    v = jnp.mean((h - m) ** 2, axis=-1, keepdims=True)
    return (h - m) / jnp.sqrt(v + 1e-5) * g + b


def _row(ref):
    return ref[...].reshape(1, -1)


def _enc_body(x_ref, eW1, eb1, g1, b1, eW2, eb2, g2, b2, cb,
              idx_out, commit_out, ct_sc, cbsq_sc, cacc):
    i = pl.program_id(0)

    @pl.when(i == 0)
    def _():
        ct0 = cb[...].T
        ct_sc[...] = ct0
        cbsq_sc[...] = jnp.sum(ct0 * ct0, axis=0, keepdims=True)

    ct = ct_sc[...]
    cbsq = cbsq_sc[...]
    cs = 0.0
    for c in range(NCH):
        xb = x_ref[c * CHUNK:(c + 1) * CHUNK, :]
        h = jnp.dot(xb, eW1[...], preferred_element_type=jnp.float32) + _row(eb1)
        h = jnp.maximum(_ln(h, _row(g1), _row(b1)), 0.0)
        h = jnp.dot(h, eW2[...], preferred_element_type=jnp.float32) + _row(eb2)
        enc = jnp.maximum(_ln(h, _row(g2), _row(b2)), 0.0)

        s2 = jnp.dot(enc * -2.0, ct, preferred_element_type=jnp.float32)
        d2 = s2 + cbsq
        mins = jnp.min(d2, axis=1, keepdims=True)
        col = lax.broadcasted_iota(jnp.int32, (CHUNK, K), 1)
        idx = jnp.min(jnp.where(d2 <= mins, col, K), axis=1, keepdims=True)
        idx_out[c * CHUNK:(c + 1) * CHUNK, :] = idx

        cs += jnp.sum(enc * enc) + jnp.sum(mins)

    @pl.when(i == 0)
    def _():
        cacc[0, 0] = cs

    @pl.when(i > 0)
    def _():
        cacc[0, 0] += cs

    @pl.when(i == NBLK - 1)
    def _():
        commit_out[...] = jnp.broadcast_to(cacc[0, 0] / (NTOK * CDIM), (1, 1))


def _dec_body(x_ref, q_ref, dW1, db1, dW2, db2, pW1, pb1, pW2, pb2,
              commit_in,
              recon_out, commit_out, cbl_out, contr_out, total_out,
              pooled_sc, racc):
    i = pl.program_id(0)
    rs = 0.0
    for c in range(NCH):
        xb = x_ref[c * CHUNK:(c + 1) * CHUNK, :]
        q = q_ref[c * CHUNK:(c + 1) * CHUNK, :]
        hd = jnp.maximum(
            jnp.dot(q, dW1[...], preferred_element_type=jnp.float32)
            + _row(db1), 0.0)
        r = jnp.dot(hd, dW2[...], preferred_element_type=jnp.float32) + _row(db2)
        rs += jnp.sum((r - xb) ** 2)

        rid = lax.broadcasted_iota(jnp.int32, (CPB, CHUNK), 0)
        cid = lax.broadcasted_iota(jnp.int32, (CPB, CHUNK), 1)
        M = jnp.where(cid // T == rid, 1.0 / T, 0.0)
        pooled_sc[pl.ds(i * (NCH * CPB) + c * CPB, CPB), :] = jnp.dot(
            M, q, preferred_element_type=jnp.float32)

    @pl.when(i == 0)
    def _():
        racc[0, 0] = rs

    @pl.when(i > 0)
    def _():
        racc[0, 0] += rs

    @pl.when(i == NBLK - 1)
    def _():
        pooled = pooled_sc[...]
        p = jnp.maximum(
            jnp.dot(pooled, pW1[...], preferred_element_type=jnp.float32)
            + _row(pb1), 0.0)
        p = jnp.dot(p, pW2[...], preferred_element_type=jnp.float32) + _row(pb2)
        nrm = jnp.maximum(jnp.sqrt(jnp.sum(p * p, axis=1, keepdims=True)),
                          1e-12)
        n = p / nrm
        sim = lax.dot_general(n, n, _DN,
                              preferred_element_type=jnp.float32) / 0.1
        mx = jnp.max(sim, axis=1, keepdims=True)
        logp = sim - mx - jnp.log(jnp.sum(jnp.exp(sim - mx), axis=1,
                                          keepdims=True))
        er = lax.broadcasted_iota(jnp.int32, (B, B), 0)
        ec = lax.broadcasted_iota(jnp.int32, (B, B), 1)
        contr = -jnp.sum(jnp.where(er == ec, logp, 0.0)) / B
        recon = racc[0, 0] / (NTOK * FEAT)
        commit = commit_in[0, 0]
        w = lambda ref, v: ref.__setitem__(
            (slice(None), slice(None)), jnp.broadcast_to(v, (1, 1)))
        w(recon_out, recon)
        w(commit_out, commit)
        w(cbl_out, commit)
        w(contr_out, contr)
        w(total_out, recon + commit * 0.25 + commit + contr * 0.1)


def _sc_gather(codebook, idx_flat):
    info = plsc.get_sparse_core_info()
    nw = info.num_cores * info.num_subcores
    bpw = NTOK // nw
    mesh = plsc.VectorSubcoreMesh(core_axis_name="c", subcore_axis_name="s")

    @functools.partial(
        pl.kernel, mesh=mesh,
        out_type=jax.ShapeDtypeStruct((NTOK, CDIM), jnp.float32),
        scratch_types=[
            pltpu.VMEM((bpw,), jnp.int32),
            pltpu.VMEM((bpw, CDIM), jnp.float32),
            pltpu.SemaphoreType.DMA,
        ],
    )
    def k(table_hbm, idx_hbm, out_hbm, idx_v, rows_v, sem):
        wid = lax.axis_index("s") * info.num_cores + lax.axis_index("c")
        base = wid * bpw
        pltpu.sync_copy(idx_hbm.at[pl.ds(base, bpw)], idx_v)
        pltpu.async_copy(table_hbm.at[idx_v], rows_v, sem).wait()
        pltpu.sync_copy(rows_v, out_hbm.at[pl.ds(base, bpw)])

    return k(codebook, idx_flat)


def kernel(x, enc_W1, enc_b1, ln1_g, ln1_b, enc_W2, enc_b2, ln2_g, ln2_b,
           codebook, dec_W1, dec_b1, dec_W2, dec_b2, proj_W1, proj_b1,
           proj_W2, proj_b2):
    xf = x.reshape(NTOK, FEAT)
    full = lambda a: pl.BlockSpec(a.shape, lambda i: (0,) * a.ndim)
    sc = pl.BlockSpec((1, 1), lambda i: (0, 0))

    enc_args = (xf, enc_W1, enc_b1, ln1_g, ln1_b, enc_W2, enc_b2,
                ln2_g, ln2_b, codebook)
    idx, commit = pl.pallas_call(
        _enc_body,
        grid=(NBLK,),
        in_specs=[pl.BlockSpec((BLK, FEAT), lambda i: (i, 0))] + [
            full(a) for a in enc_args[1:]],
        out_specs=[pl.BlockSpec((BLK, 1), lambda i: (i, 0)), sc],
        out_shape=[jax.ShapeDtypeStruct((NTOK, 1), jnp.int32),
                   jax.ShapeDtypeStruct((1, 1), jnp.float32)],
        scratch_shapes=[pltpu.VMEM((CDIM, K), jnp.float32),
                        pltpu.VMEM((1, K), jnp.float32),
                        pltpu.SMEM((1, 1), jnp.float32)],
    )(*enc_args)

    q = _sc_gather(codebook, idx.reshape(NTOK))

    dec_args = (xf, q, dec_W1, dec_b1, dec_W2, dec_b2,
                proj_W1, proj_b1, proj_W2, proj_b2, commit)
    out = pl.pallas_call(
        _dec_body,
        grid=(NBLK,),
        in_specs=[pl.BlockSpec((BLK, FEAT), lambda i: (i, 0)),
                  pl.BlockSpec((BLK, CDIM), lambda i: (i, 0))] + [
            full(a) for a in dec_args[2:10]] + [sc],
        out_specs=[sc] * 5,
        out_shape=[jax.ShapeDtypeStruct((1, 1), jnp.float32)] * 5,
        scratch_shapes=[pltpu.VMEM((B, CDIM), jnp.float32),
                        pltpu.SMEM((1, 1), jnp.float32)],
    )(*dec_args)
    recon, commit_o, cbl, contr, total = out
    return (idx.reshape(B, T), recon[0, 0], commit_o[0, 0], cbl[0, 0],
            contr[0, 0], total[0, 0])

# --- scband reference (transcript-rebuilt; emitter-appended) ---
"""Pipeline reference for scband-gloss-free-vq-42150809043139 (READ-ONLY COPY).

The authoritative reference and input builder live on the scoring server;
editing this copy changes nothing except your own understanding.
"""

import jax, jax.numpy as jnp
import numpy as np

FEATURE_DIM = 512
CODEBOOK_DIM = 256
CODEBOOK_SIZE = 1024

def _layer_norm(x, g, b, eps=1e-5):
    m = jnp.mean(x, axis=-1, keepdims=True)
    v = jnp.var(x, axis=-1, keepdims=True)
    return (x - m) / jnp.sqrt(v + eps) * g + b

def _linear_params(key, fan_in, fan_out):
    kw, kb = jax.random.split(key)
    bound = 1.0 / np.sqrt(fan_in)
    W = jax.random.uniform(kw, (fan_in, fan_out), minval=-bound, maxval=bound, dtype=jnp.float32)
    b = jax.random.uniform(kb, (fan_out,), minval=-bound, maxval=bound, dtype=jnp.float32)
    return W, b

def setup_inputs(seed: int = 0):
    key = jax.random.key(seed)
    ks = jax.random.split(key, 10)
    x = jax.random.normal(ks[0], (32, 128, FEATURE_DIM), dtype=jnp.float32)
    enc_W1, enc_b1 = _linear_params(ks[1], FEATURE_DIM, 768)
    ln1_g = jnp.ones((768,), jnp.float32)
    ln1_b = jnp.zeros((768,), jnp.float32)
    enc_W2, enc_b2 = _linear_params(ks[2], 768, CODEBOOK_DIM)
    ln2_g = jnp.ones((CODEBOOK_DIM,), jnp.float32)
    ln2_b = jnp.zeros((CODEBOOK_DIM,), jnp.float32)
    codebook = 0.02 * jax.random.normal(ks[3], (CODEBOOK_SIZE, CODEBOOK_DIM), dtype=jnp.float32)
    dec_W1, dec_b1 = _linear_params(ks[4], CODEBOOK_DIM, 768)
    dec_W2, dec_b2 = _linear_params(ks[5], 768, FEATURE_DIM)
    proj_W1, proj_b1 = _linear_params(ks[6], CODEBOOK_DIM, 256)
    proj_W2, proj_b2 = _linear_params(ks[7], 256, 128)
    return {"x": x, "enc_W1": enc_W1, "enc_b1": enc_b1, "ln1_g": ln1_g, "ln1_b": ln1_b, "enc_W2": enc_W2, "enc_b2": enc_b2, "ln2_g": ln2_g, "ln2_b": ln2_b, "codebook": codebook, "dec_W1": dec_W1, "dec_b1": dec_b1, "dec_W2": dec_W2, "dec_b2": dec_b2, "proj_W1": proj_W1, "proj_b1": proj_b1, "proj_W2": proj_W2, "proj_b2": proj_b2}

def reference(x, enc_W1, enc_b1, ln1_g, ln1_b, enc_W2, enc_b2, ln2_g, ln2_b, codebook, dec_W1, dec_b1, dec_W2, dec_b2, proj_W1, proj_b1, proj_W2, proj_b2):
    B, T, D = x.shape
    # encoder (dropout is identity in eval mode)
    h = x @ enc_W1 + enc_b1
    h = _layer_norm(h, ln1_g, ln1_b)
    h = jax.nn.relu(h)
    h = h @ enc_W2 + enc_b2
    h = _layer_norm(h, ln2_g, ln2_b)
    encoded = jax.nn.relu(h)
    # quantize: nearest codebook entry (argmin of squared euclidean == argmin of cdist)
    flat = encoded.reshape(-1, CODEBOOK_DIM)
    d2 = jnp.sum(flat * flat, axis=1, keepdims=True) - 2.0 * (flat @ codebook.T) + jnp.sum(codebook * codebook, axis=1)[None, :]
    indices = jnp.argmin(d2, axis=-1)
    quantized = jnp.take(codebook, indices, axis=0).reshape(B, T, CODEBOOK_DIM)
    quantized_st = encoded + jax.lax.stop_gradient(quantized - encoded)
    # decoder
    r = jax.nn.relu(quantized_st @ dec_W1 + dec_b1) @ dec_W2 + dec_b2
    recon_loss = jnp.mean((r - x) ** 2)
    commitment_loss = jnp.mean((encoded - jax.lax.stop_gradient(quantized)) ** 2)
    codebook_loss = jnp.mean((quantized - jax.lax.stop_gradient(encoded)) ** 2)
    # contrastive (use_contrastive_loss=True, B > 1)
    pooled = quantized_st.mean(axis=1)
    proj = jax.nn.relu(pooled @ proj_W1 + proj_b1) @ proj_W2 + proj_b2
    norm = jnp.maximum(jnp.linalg.norm(proj, axis=-1, keepdims=True), 1e-12)
    n = proj / norm
    sim = (n @ n.T) / 0.1
    logp = jax.nn.log_softmax(sim, axis=-1)
    contrastive_loss = -jnp.mean(jnp.diagonal(logp))
    total_loss = recon_loss * 1.0 + commitment_loss * 0.25 + codebook_loss * 1.0 + contrastive_loss * 0.1
    return (indices.reshape(B, T), recon_loss, commitment_loss, codebook_loss, contrastive_loss, total_loss)

if __name__ == "__main__":
    import jax
    _d = setup_inputs()
    print(jax.jit(kernel)(*tuple(_d.values())))

</pallas_src>

<mosaic_0001>
#map = affine_map<(d0, d1) -> (0, 0)>
#map1 = affine_map<(d0, d1) -> (0)>
module attributes {stable_mosaic.version = 14 : i64} {
  func.func @k(%arg0: i32, %arg1: i32, %arg2: memref<1024x256xf32, #tpu.memory_space<hbm>>, %arg3: memref<4096xi32, #tpu.memory_space<hbm>>, %arg4: memref<4096x256xf32, #tpu.memory_space<hbm>>, %arg5: memref<128xi32, #tpu.memory_space<vmem>>, %arg6: memref<128x256xf32, #tpu.memory_space<vmem>>, %arg7: memref<!tpu.dma_semaphore, #tpu.memory_space<semaphore_mem>>) attributes {dimension_semantics = [#tpu.dimension_semantics<core_parallel>, #tpu.dimension_semantics<subcore_parallel>], iteration_bounds = array<i64: 2, 16>, scalar_prefetch = 0 : i64, scratch_operands = 3 : i64, tpu.core_type = #tpu.core_type<sc_vector_subcore>, window_params = [{transform_indices = #map}, {transform_indices = #map1}, {transform_indices = #map}]} {
    %mul3A = arith.constant 2 : i32
    %mul3A_0 = arith.muli %arg1, %mul3A : i32
    %add3A = arith.addi %mul3A_0, %arg0 : i32
    %mul3A_1 = arith.constant 128 : i32
    %mul3A_2 = arith.muli %add3A, %mul3A_1 : i32
    "tpu.region"() ({
      %run_scoped3A = tpu.sem_alloc : memref<!tpu.dma_semaphore, #tpu.memory_space<semaphore_mem>>
      %dma_start3A_7 = tpu.memref_slice %arg3[%mul3A_2] : memref<4096xi32, #tpu.memory_space<hbm>> -> memref<128xi32, #tpu.memory_space<hbm>>
      %dma_start3A_8 = tpu.memref_slice %arg3[%mul3A_2] : memref<4096xi32, #tpu.memory_space<hbm>> -> memref<128xi32, #tpu.memory_space<hbm>>
      tpu.enqueue_dma source(%dma_start3A_8 : memref<128xi32, #tpu.memory_space<hbm>>) target(%arg5 : memref<128xi32, #tpu.memory_space<vmem>>) target_semaphore(%run_scoped3A : memref<!tpu.dma_semaphore, #tpu.memory_space<semaphore_mem>>)
      %dma_wait3A_9 = tpu.memref_slice %arg3[%mul3A_2] : memref<4096xi32, #tpu.memory_space<hbm>> -> memref<128xi32, #tpu.memory_space<hbm>>
      %dma_wait3A_10 = tpu.memref_slice %arg3[%mul3A_2] : memref<4096xi32, #tpu.memory_space<hbm>> -> memref<128xi32, #tpu.memory_space<hbm>>
      tpu.wait_dma2 semaphore(%run_scoped3A : memref<!tpu.dma_semaphore, #tpu.memory_space<semaphore_mem>>) src(%dma_wait3A_10 : memref<128xi32, #tpu.memory_space<hbm>>) dst(%arg5 : memref<128xi32, #tpu.memory_space<vmem>>)
      tpu.yield
    }) : () -> ()
    %dma_start3A = arith.constant 0 : i32
    %dma_start3A_3 = arith.constant 0 : i32
    %dma_start3A_4 = tpu.memref_slice %arg2[%dma_start3A, %dma_start3A_3] : memref<1024x256xf32, #tpu.memory_space<hbm>> -> memref<1024x256xf32, #tpu.memory_space<hbm>>
    tpu.enqueue_indirect_dma source(%dma_start3A_4 : memref<1024x256xf32, #tpu.memory_space<hbm>>) target(%arg6 : memref<128x256xf32, #tpu.memory_space<vmem>>) offsets(%arg5 : memref<128xi32, #tpu.memory_space<vmem>>) semaphore(%arg7 : memref<!tpu.dma_semaphore, #tpu.memory_space<semaphore_mem>>)
    %dma_wait3A = arith.constant 0 : i32
    %dma_wait3A_5 = arith.constant 0 : i32
    %dma_wait3A_6 = tpu.memref_slice %arg2[%dma_wait3A, %dma_wait3A_5] : memref<1024x256xf32, #tpu.memory_space<hbm>> -> memref<1024x256xf32, #tpu.memory_space<hbm>>
    tpu.wait_indirect_dma semaphore(%arg7 : memref<!tpu.dma_semaphore, #tpu.memory_space<semaphore_mem>>) src(%dma_wait3A_6 : memref<1024x256xf32, #tpu.memory_space<hbm>>) dst(%arg6 : memref<128x256xf32, #tpu.memory_space<vmem>>)
    "tpu.region"() ({
      %run_scoped3A = tpu.sem_alloc : memref<!tpu.dma_semaphore, #tpu.memory_space<semaphore_mem>>
      %dma_start3A_7 = arith.constant 0 : i32
      %dma_start3A_8 = tpu.memref_slice %arg4[%mul3A_2, %dma_start3A_7] : memref<4096x256xf32, #tpu.memory_space<hbm>> -> memref<128x256xf32, #tpu.memory_space<hbm>>
      %dma_start3A_9 = arith.constant 0 : i32
      %dma_start3A_10 = tpu.memref_slice %arg4[%mul3A_2, %dma_start3A_9] : memref<4096x256xf32, #tpu.memory_space<hbm>> -> memref<128x256xf32, #tpu.memory_space<hbm>>
      tpu.enqueue_dma source(%arg6 : memref<128x256xf32, #tpu.memory_space<vmem>>) target(%dma_start3A_10 : memref<128x256xf32, #tpu.memory_space<hbm>>) target_semaphore(%run_scoped3A : memref<!tpu.dma_semaphore, #tpu.memory_space<semaphore_mem>>)
      %dma_wait3A_11 = arith.constant 0 : i32
      %dma_wait3A_12 = tpu.memref_slice %arg4[%mul3A_2, %dma_wait3A_11] : memref<4096x256xf32, #tpu.memory_space<hbm>> -> memref<128x256xf32, #tpu.memory_space<hbm>>
      %dma_wait3A_13 = arith.constant 0 : i32
      %dma_wait3A_14 = tpu.memref_slice %arg4[%mul3A_2, %dma_wait3A_13] : memref<4096x256xf32, #tpu.memory_space<hbm>> -> memref<128x256xf32, #tpu.memory_space<hbm>>
      tpu.wait_dma2 semaphore(%run_scoped3A : memref<!tpu.dma_semaphore, #tpu.memory_space<semaphore_mem>>) src(%arg6 : memref<128x256xf32, #tpu.memory_space<vmem>>) dst(%dma_wait3A_14 : memref<128x256xf32, #tpu.memory_space<hbm>>)
      tpu.yield
    }) : () -> ()
    return
  }
}

module attributes {stable_mosaic.version = 14 : i64} {
  func.func @_enc_body(%arg0: i32, %arg1: memref<2048x512xf32, #tpu.memory_space<vmem>>, %arg2: memref<512x768xf32, #tpu.memory_space<vmem>>, %arg3: memref<768xf32, #tpu.memory_space<vmem>>, %arg4: memref<768xf32, #tpu.memory_space<vmem>>, %arg5: memref<768xf32, #tpu.memory_space<vmem>>, %arg6: memref<768x256xf32, #tpu.memory_space<vmem>>, %arg7: memref<256xf32, #tpu.memory_space<vmem>>, %arg8: memref<256xf32, #tpu.memory_space<vmem>>, %arg9: memref<256xf32, #tpu.memory_space<vmem>>, %arg10: memref<1024x256xf32, #tpu.memory_space<vmem>>, %arg11: memref<2048x1xi32, #tpu.memory_space<vmem>>, %arg12: memref<1x1xf32, #tpu.memory_space<vmem>>, %arg13: memref<256x1024xf32, #tpu.memory_space<vmem>>, %arg14: memref<1x1024xf32, #tpu.memory_space<vmem>>, %arg15: memref<1x1xf32, #tpu.memory_space<smem>>) attributes {dimension_semantics = [#tpu.dimension_semantics<arbitrary>], iteration_bounds = array<i64: 2>, scalar_prefetch = 0 : i64, scratch_operands = 3 : i64, tpu.core_type = #tpu.core_type<tc>, window_params = [{transform_indices = @transform_0, window_bounds = array<i64: 2048, 512>}, {pipeline_mode = #tpu.pipeline_mode<synchronous>, transform_indices = @transform_1, window_bounds = array<i64: 512, 768>}, {pipeline_mode = #tpu.pipeline_mode<synchronous>, transform_indices = @transform_2, window_bounds = array<i64: 768>}, {pipeline_mode = #tpu.pipeline_mode<synchronous>, transform_indices = @transform_3, window_bounds = array<i64: 768>}, {pipeline_mode = #tpu.pipeline_mode<synchronous>, transform_indices = @transform_4, window_bounds = array<i64: 768>}, {pipeline_mode = #tpu.pipeline_mode<synchronous>, transform_indices = @transform_5, window_bounds = array<i64: 768, 256>}, {pipeline_mode = #tpu.pipeline_mode<synchronous>, transform_indices = @transform_6, window_bounds = array<i64: 256>}, {pipeline_mode = #tpu.pipeline_mode<synchronous>, transform_indices = @transform_7, window_bounds = array<i64: 256>}, {pipeline_mode = #tpu.pipeline_mode<synchronous>, transform_indices = @transform_8, window_bounds = array<i64: 256>}, {pipeline_mode = #tpu.pipeline_mode<synchronous>, transform_indices = @transform_9, window_bounds = array<i64: 1024, 256>}, {transform_indices = @transform_10, window_bounds = array<i64: 2048, 1>}, {pipeline_mode = #tpu.pipeline_mode<synchronous>, transform_indices = @transform_11, window_bounds = array<i64: 1, 1>}]} {
    %eq3A = arith.constant 0 : i32
    %eq3A_0 = arith.cmpi eq, %arg0, %eq3A : i32
    %convert_element_type3A = arith.extui %eq3A_0 : i1 to i32
    %cond3A = arith.constant 0 : i32
    %cond3A_1 = arith.cmpi ne, %convert_element_type3A, %cond3A : i32
    scf.if %cond3A_1 {
      %get3A_265 = arith.constant 0 : index
      %get3A_266 = arith.constant 0 : index
      %get3A_267 = vector.load %arg10[%get3A_265, %get3A_266] : memref<1024x256xf32, #tpu.memory_space<vmem>>, vector<1024x256xf32>
      %transpose3A = tpu.transpose %get3A_267, [1, 0] : vector<1024x256xf32> -> vector<256x1024xf32>
      %swap3A_268 = arith.constant 0 : index
      %swap3A_269 = arith.constant 0 : index
      %swap3A_270 = vector.load %arg13[%swap3A_268, %swap3A_269] : memref<256x1024xf32, #tpu.memory_space<vmem>>, vector<256x1024xf32>
      tpu.vector_store %arg13[%swap3A_268, %swap3A_269], %transpose3A {strides = array<i32>} : memref<256x1024xf32, #tpu.memory_space<vmem>>, vector<256x1024xf32>,
      %mul3A_271 = arith.mulf %transpose3A, %transpose3A : vector<256x1024xf32>
      %reduce_sum3A_272 = arith.constant dense<0.000000e+00> : vector<1024xf32>
      %reduce_sum3A_273 = vector.multi_reduction <add>, %mul3A_271, %reduce_sum3A_272 [0] : vector<256x1024xf32> to vector<1024xf32>
      %broadcast_in_dim3A_274 = vector.shape_cast %reduce_sum3A_273 : vector<1024xf32> to vector<1x1024xf32>
      %swap3A_275 = arith.constant 0 : index
      %swap3A_276 = arith.constant 0 : index
      %swap3A_277 = vector.load %arg14[%swap3A_275, %swap3A_276] : memref<1x1024xf32, #tpu.memory_space<vmem>>, vector<1x1024xf32>
      tpu.vector_store %arg14[%swap3A_275, %swap3A_276], %broadcast_in_dim3A_274 {strides = array<i32>} : memref<1x1024xf32, #tpu.memory_space<vmem>>, vector<1x1024xf32>,
    } else {
    }
    %get3A = arith.constant 0 : index
    %get3A_2 = arith.constant 0 : index
    %get3A_3 = vector.load %arg13[%get3A, %get3A_2] : memref<256x1024xf32, #tpu.memory_space<vmem>>, vector<256x1024xf32>
    %get3A_4 = arith.constant 0 : index
    %get3A_5 = arith.constant 0 : index
    %get3A_6 = vector.load %arg14[%get3A_4, %get3A_5] : memref<1x1024xf32, #tpu.memory_space<vmem>>, vector<1x1024xf32>
    %get3A_7 = arith.constant 0 : index
    %get3A_8 = arith.constant 0 : index
    %get3A_9 = vector.load %arg1[%get3A_7, %get3A_8] : memref<2048x512xf32, #tpu.memory_space<vmem>>, vector<1024x512xf32>
    %get3A_10 = arith.constant 0 : index
    %get3A_11 = arith.constant 0 : index
    %get3A_12 = vector.load %arg2[%get3A_10, %get3A_11] : memref<512x768xf32, #tpu.memory_space<vmem>>, vector<512x768xf32>
    %dot_general3A = arith.constant dense<0.000000e+00> : vector<1024x768xf32>
    %dot_general3A_13 = tpu.matmul %get3A_9, %get3A_12, %dot_general3A {dimension_numbers = #tpu.dot_dimension_numbers<[1], [0], [0], [1], [0, 0, 1, 1], [], []>, transpose_lhs_hint = false} : vector<1024x512xf32>, vector<512x768xf32>, vector<1024x768xf32> -> vector<1024x768xf32>
    %get3A_14 = arith.constant 0 : index
    %get3A_15 = vector.load %arg3[%get3A_14] : memref<768xf32, #tpu.memory_space<vmem>>, vector<768xf32>
    %reshape3A = vector.shape_cast %get3A_15 : vector<768xf32> to vector<1x768xf32>
    %add3A = vector.broadcast %reshape3A : vector<1x768xf32> to vector<1024x768xf32>
    %add3A_16 = arith.addf %dot_general3A_13, %add3A : vector<1024x768xf32>
    %get3A_17 = arith.constant 0 : index
    %get3A_18 = vector.load %arg4[%get3A_17] : memref<768xf32, #tpu.memory_space<vmem>>, vector<768xf32>
    %reshape3A_19 = vector.shape_cast %get3A_18 : vector<768xf32> to vector<1x768xf32>
    %get3A_20 = arith.constant 0 : index
    %get3A_21 = vector.load %arg5[%get3A_20] : memref<768xf32, #tpu.memory_space<vmem>>, vector<768xf32>
    %reshape3A_22 = vector.shape_cast %get3A_21 : vector<768xf32> to vector<1x768xf32>
    %reduce_sum3A = arith.constant dense<0.000000e+00> : vector<1024xf32>
    %reduce_sum3A_23 = vector.multi_reduction <add>, %add3A_16, %reduce_sum3A [1] : vector<1024x768xf32> to vector<1024xf32>
    %broadcast_in_dim3A = vector.shape_cast %reduce_sum3A_23 : vector<1024xf32> to vector<1024x1xf32>
    %div3A = arith.constant 7.680000e+02 : f32
    %div3A_24 = vector.broadcast %div3A : f32 to vector<1024x1xf32>
    %div3A_25 = arith.divf %broadcast_in_dim3A, %div3A_24 : vector<1024x1xf32>
    %sub3A = vector.broadcast %div3A_25 : vector<1024x1xf32> to vector<1024x768xf32>
    %sub3A_26 = arith.subf %add3A_16, %sub3A : vector<1024x768xf32>
    %integer_pow3A = arith.mulf %sub3A_26, %sub3A_26 : vector<1024x768xf32>
    %reduce_sum3A_27 = arith.constant dense<0.000000e+00> : vector<1024xf32>
    %reduce_sum3A_28 = vector.multi_reduction <add>, %integer_pow3A, %reduce_sum3A_27 [1] : vector<1024x768xf32> to vector<1024xf32>
    %broadcast_in_dim3A_29 = vector.shape_cast %reduce_sum3A_28 : vector<1024xf32> to vector<1024x1xf32>
    %div3A_30 = arith.constant 7.680000e+02 : f32
    %div3A_31 = vector.broadcast %div3A_30 : f32 to vector<1024x1xf32>
    %div3A_32 = arith.divf %broadcast_in_dim3A_29, %div3A_31 : vector<1024x1xf32>
    %sub3A_33 = vector.broadcast %div3A_25 : vector<1024x1xf32> to vector<1024x768xf32>
    %sub3A_34 = arith.subf %add3A_16, %sub3A_33 : vector<1024x768xf32>
    %add3A_35 = arith.constant 9.99999974E-6 : f32
    %add3A_36 = vector.broadcast %add3A_35 : f32 to vector<1024x1xf32>
    %add3A_37 = arith.addf %div3A_32, %add3A_36 : vector<1024x1xf32>
    %sqrt3A = math.sqrt %add3A_37 : vector<1024x1xf32>
    %div3A_38 = vector.broadcast %sqrt3A : vector<1024x1xf32> to vector<1024x768xf32>
    %div3A_39 = arith.divf %sub3A_34, %div3A_38 : vector<1024x768xf32>
    %mul3A = vector.broadcast %reshape3A_19 : vector<1x768xf32> to vector<1024x768xf32>
    %mul3A_40 = arith.mulf %div3A_39, %mul3A : vector<1024x768xf32>
    %add3A_41 = vector.broadcast %reshape3A_22 : vector<1x768xf32> to vector<1024x768xf32>
    %add3A_42 = arith.addf %mul3A_40, %add3A_41 : vector<1024x768xf32>
    %max3A = arith.constant 0.000000e+00 : f32
    %max3A_43 = vector.broadcast %max3A : f32 to vector<1024x768xf32>
    %max3A_44 = arith.maximumf %add3A_42, %max3A_43 : vector<1024x768xf32>
    %get3A_45 = arith.constant 0 : index
    %get3A_46 = arith.constant 0 : index
    %get3A_47 = vector.load %arg6[%get3A_45, %get3A_46] : memref<768x256xf32, #tpu.memory_space<vmem>>, vector<768x256xf32>
    %dot_general3A_48 = arith.constant dense<0.000000e+00> : vector<1024x256xf32>
    %dot_general3A_49 = tpu.matmul %max3A_44, %get3A_47, %dot_general3A_48 {dimension_numbers = #tpu.dot_dimension_numbers<[1], [0], [0], [1], [0, 0, 1, 1], [], []>, transpose_lhs_hint = false} : vector<1024x768xf32>, vector<768x256xf32>, vector<1024x256xf32> -> vector<1024x256xf32>
    %get3A_50 = arith.constant 0 : index
    %get3A_51 = vector.load %arg7[%get3A_50] : memref<256xf32, #tpu.memory_space<vmem>>, vector<256xf32>
    %reshape3A_52 = vector.shape_cast %get3A_51 : vector<256xf32> to vector<1x256xf32>
    %add3A_53 = vector.broadcast %reshape3A_52 : vector<1x256xf32> to vector<1024x256xf32>
    %add3A_54 = arith.addf %dot_general3A_49, %add3A_53 : vector<1024x256xf32>
    %get3A_55 = arith.constant 0 : index
    %get3A_56 = vector.load %arg8[%get3A_55] : memref<256xf32, #tpu.memory_space<vmem>>, vector<256xf32>
    %reshape3A_57 = vector.shape_cast %get3A_56 : vector<256xf32> to vector<1x256xf32>
    %get3A_58 = arith.constant 0 : index
    %get3A_59 = vector.load %arg9[%get3A_58] : memref<256xf32, #tpu.memory_space<vmem>>, vector<256xf32>
    %reshape3A_60 = vector.shape_cast %get3A_59 : vector<256xf32> to vector<1x256xf32>
    %reduce_sum3A_61 = arith.constant dense<0.000000e+00> : vector<1024xf32>
    %reduce_sum3A_62 = vector.multi_reduction <add>, %add3A_54, %reduce_sum3A_61 [1] : vector<1024x256xf32> to vector<1024xf32>
    %broadcast_in_dim3A_63 = vector.shape_cast %reduce_sum3A_62 : vector<1024xf32> to vector<1024x1xf32>
    %div3A_64 = arith.constant 2.560000e+02 : f32
    %div3A_65 = vector.broadcast %div3A_64 : f32 to vector<1024x1xf32>
    %div3A_66 = arith.divf %broadcast_in_dim3A_63, %div3A_65 : vector<1024x1xf32>
    %sub3A_67 = vector.broadcast %div3A_66 : vector<1024x1xf32> to vector<1024x256xf32>
    %sub3A_68 = arith.subf %add3A_54, %sub3A_67 : vector<1024x256xf32>
    %integer_pow3A_69 = arith.mulf %sub3A_68, %sub3A_68 : vector<1024x256xf32>
    %reduce_sum3A_70 = arith.constant dense<0.000000e+00> : vector<1024xf32>
    %reduce_sum3A_71 = vector.multi_reduction <add>, %integer_pow3A_69, %reduce_sum3A_70 [1] : vector<1024x256xf32> to vector<1024xf32>
    %broadcast_in_dim3A_72 = vector.shape_cast %reduce_sum3A_71 : vector<1024xf32> to vector<1024x1xf32>
    %div3A_73 = arith.constant 2.560000e+02 : f32
    %div3A_74 = vector.broadcast %div3A_73 : f32 to vector<1024x1xf32>
    %div3A_75 = arith.divf %broadcast_in_dim3A_72, %div3A_74 : vector<1024x1xf32>
    %sub3A_76 = vector.broadcast %div3A_66 : vector<1024x1xf32> to vector<1024x256xf32>
    %sub3A_77 = arith.subf %add3A_54, %sub3A_76 : vector<1024x256xf32>
    %add3A_78 = arith.constant 9.99999974E-6 : f32
    %add3A_79 = vector.broadcast %add3A_78 : f32 to vector<1024x1xf32>
    %add3A_80 = arith.addf %div3A_75, %add3A_79 : vector<1024x1xf32>
    %sqrt3A_81 = math.sqrt %add3A_80 : vector<1024x1xf32>
    %div3A_82 = vector.broadcast %sqrt3A_81 : vector<1024x1xf32> to vector<1024x256xf32>
    %div3A_83 = arith.divf %sub3A_77, %div3A_82 : vector<1024x256xf32>
    %mul3A_84 = vector.broadcast %reshape3A_57 : vector<1x256xf32> to vector<1024x256xf32>
    %mul3A_85 = arith.mulf %div3A_83, %mul3A_84 : vector<1024x256xf32>
    %add3A_86 = vector.broadcast %reshape3A_60 : vector<1x256xf32> to vector<1024x256xf32>
    %add3A_87 = arith.addf %mul3A_85, %add3A_86 : vector<1024x256xf32>
    %max3A_88 = arith.constant 0.000000e+00 : f32
    %max3A_89 = vector.broadcast %max3A_88 : f32 to vector<1024x256xf32>
    %max3A_90 = arith.maximumf %add3A_87, %max3A_89 : vector<1024x256xf32>
    %mul3A_91 = arith.constant -2.000000e+00 : f32
    %mul3A_92 = vector.broadcast %mul3A_91 : f32 to vector<1024x256xf32>
    %mul3A_93 = arith.mulf %max3A_90, %mul3A_92 : vector<1024x256xf32>
    %dot_general3A_94 = arith.constant dense<0.000000e+00> : vector<1024x1024xf32>
    %dot_general3A_95 = tpu.matmul %mul3A_93, %get3A_3, %dot_general3A_94 {dimension_numbers = #tpu.dot_dimension_numbers<[1], [0], [0], [1], [0, 0, 1, 1], [], []>, transpose_lhs_hint = false} : vector<1024x256xf32>, vector<256x1024xf32>, vector<1024x1024xf32> -> vector<1024x1024xf32>
    %add3A_96 = vector.broadcast %get3A_6 : vector<1x1024xf32> to vector<1024x1024xf32>
    %add3A_97 = arith.addf %dot_general3A_95, %add3A_96 : vector<1024x1024xf32>
    %reduce_min3A = arith.constant dense<0x7F800000> : vector<1024xf32>
    %reduce_min3A_98 = vector.multi_reduction <minimumf>, %add3A_97, %reduce_min3A [1] : vector<1024x1024xf32> to vector<1024xf32>
    %broadcast_in_dim3A_99 = vector.shape_cast %reduce_min3A_98 : vector<1024xf32> to vector<1024x1xf32>
    %iota3A = tpu.iota {dimensions = array<i32: 1>} : vector<1024x1024xi32>
    %le3A = vector.broadcast %broadcast_in_dim3A_99 : vector<1024x1xf32> to vector<1024x1024xf32>
    %le3A_100 = arith.cmpf ole, %add3A_97, %le3A : vector<1024x1024xf32>
    %jit3A = arith.constant 1024 : i32
    %broadcast_in_dim3A_101 = vector.broadcast %jit3A : i32 to vector<1024x1024xi32>
    %select_n3A = arith.select %le3A_100, %iota3A, %broadcast_in_dim3A_101 : vector<1024x1024xi1>, vector<1024x1024xi32>
    %reduce_min3A_102 = arith.constant dense<2147483647> : vector<1024xi32>
    %reduce_min3A_103 = vector.multi_reduction <minsi>, %select_n3A, %reduce_min3A_102 [1] : vector<1024x1024xi32> to vector<1024xi32>
    %broadcast_in_dim3A_104 = vector.shape_cast %reduce_min3A_103 : vector<1024xi32> to vector<1024x1xi32>
    %swap3A = arith.constant 0 : index
    %swap3A_105 = arith.constant 0 : index
    %swap3A_106 = vector.load %arg11[%swap3A, %swap3A_105] : memref<2048x1xi32, #tpu.memory_space<vmem>>, vector<1024x1xi32>
    tpu.vector_store %arg11[%swap3A, %swap3A_105], %broadcast_in_dim3A_104 {strides = array<i32>} : memref<2048x1xi32, #tpu.memory_space<vmem>>, vector<1024x1xi32>,
    %mul3A_107 = arith.mulf %max3A_90, %max3A_90 : vector<1024x256xf32>
    %reduce_sum3A_108 = vector.shape_cast %mul3A_107 : vector<1024x256xf32> to vector<1x1024x256xf32>
    %reduce_sum3A_109 = arith.constant dense<0.000000e+00> : vector<1xf32>
    %reduce_sum3A_110 = vector.multi_reduction <add>, %reduce_sum3A_108, %reduce_sum3A_109 [1, 2] : vector<1x1024x256xf32> to vector<1xf32>
    %reduce_sum3A_111 = vector.shape_cast %reduce_sum3A_110 : vector<1xf32> to vector<1x1x1xf32>
    %reduce_sum3A_112 = vector.extract %reduce_sum3A_111[0, 0, 0] : f32 from vector<1x1x1xf32>
    %reduce_sum3A_113 = vector.shape_cast %broadcast_in_dim3A_99 : vector<1024x1xf32> to vector<1x1024x1xf32>
    %reduce_sum3A_114 = arith.constant dense<0.000000e+00> : vector<1xf32>
    %reduce_sum3A_115 = vector.multi_reduction <add>, %reduce_sum3A_113, %reduce_sum3A_114 [1, 2] : vector<1x1024x1xf32> to vector<1xf32>
    %reduce_sum3A_116 = vector.shape_cast %reduce_sum3A_115 : vector<1xf32> to vector<1x1x1xf32>
    %reduce_sum3A_117 = vector.extract %reduce_sum3A_116[0, 0, 0] : f32 from vector<1x1x1xf32>
    %add3A_118 = arith.addf %reduce_sum3A_112, %reduce_sum3A_117 : f32
    %add3A_119 = arith.constant 0.000000e+00 : f32
    %add3A_120 = arith.addf %add3A_119, %add3A_118 : f32
    %get3A_121 = arith.constant 1024 : index
    %get3A_122 = arith.constant 0 : index
    %get3A_123 = vector.load %arg1[%get3A_121, %get3A_122] : memref<2048x512xf32, #tpu.memory_space<vmem>>, vector<1024x512xf32>
    %get3A_124 = arith.constant 0 : index
    %get3A_125 = arith.constant 0 : index
    %get3A_126 = vector.load %arg2[%get3A_124, %get3A_125] : memref<512x768xf32, #tpu.memory_space<vmem>>, vector<512x768xf32>
    %dot_general3A_127 = arith.constant dense<0.000000e+00> : vector<1024x768xf32>
    %dot_general3A_128 = tpu.matmul %get3A_123, %get3A_126, %dot_general3A_127 {dimension_numbers = #tpu.dot_dimension_numbers<[1], [0], [0], [1], [0, 0, 1, 1], [], []>, transpose_lhs_hint = false} : vector<1024x512xf32>, vector<512x768xf32>, vector<1024x768xf32> -> vector<1024x768xf32>
    %get3A_129 = arith.constant 0 : index
    %get3A_130 = vector.load %arg3[%get3A_129] : memref<768xf32, #tpu.memory_space<vmem>>, vector<768xf32>
    %reshape3A_131 = vector.shape_cast %get3A_130 : vector<768xf32> to vector<1x768xf32>
    %add3A_132 = vector.broadcast %reshape3A_131 : vector<1x768xf32> to vector<1024x768xf32>
    %add3A_133 = arith.addf %dot_general3A_128, %add3A_132 : vector<1024x768xf32>
    %get3A_134 = arith.constant 0 : index
    %get3A_135 = vector.load %arg4[%get3A_134] : memref<768xf32, #tpu.memory_space<vmem>>, vector<768xf32>
    %reshape3A_136 = vector.shape_cast %get3A_135 : vector<768xf32> to vector<1x768xf32>
    %get3A_137 = arith.constant 0 : index
    %get3A_138 = vector.load %arg5[%get3A_137] : memref<768xf32, #tpu.memory_space<vmem>>, vector<768xf32>
    %reshape3A_139 = vector.shape_cast %get3A_138 : vector<768xf32> to vector<1x768xf32>
    %reduce_sum3A_140 = arith.constant dense<0.000000e+00> : vector<1024xf32>
    %reduce_sum3A_141 = vector.multi_reduction <add>, %add3A_133, %reduce_sum3A_140 [1] : vector<1024x768xf32> to vector<1024xf32>
    %broadcast_in_dim3A_142 = vector.shape_cast %reduce_sum3A_141 : vector<1024xf32> to vector<1024x1xf32>
    %div3A_143 = arith.constant 7.680000e+02 : f32
    %div3A_144 = vector.broadcast %div3A_143 : f32 to vector<1024x1xf32>
    %div3A_145 = arith.divf %broadcast_in_dim3A_142, %div3A_144 : vector<1024x1xf32>
    %sub3A_146 = vector.broadcast %div3A_145 : vector<1024x1xf32> to vector<1024x768xf32>
    %sub3A_147 = arith.subf %add3A_133, %sub3A_146 : vector<1024x768xf32>
    %integer_pow3A_148 = arith.mulf %sub3A_147, %sub3A_147 : vector<1024x768xf32>
    %reduce_sum3A_149 = arith.constant dense<0.000000e+00> : vector<1024xf32>
    %reduce_sum3A_150 = vector.multi_reduction <add>, %integer_pow3A_148, %reduce_sum3A_149 [1] : vector<1024x768xf32> to vector<1024xf32>
    %broadcast_in_dim3A_151 = vector.shape_cast %reduce_sum3A_150 : vector<1024xf32> to vector<1024x1xf32>
    %div3A_152 = arith.constant 7.680000e+02 : f32
    %div3A_153 = vector.broadcast %div3A_152 : f32 to vector<1024x1xf32>
    %div3A_154 = arith.divf %broadcast_in_dim3A_151, %div3A_153 : vector<1024x1xf32>
    %sub3A_155 = vector.broadcast %div3A_145 : vector<1024x1xf32> to vector<1024x768xf32>
    %sub3A_156 = arith.subf %add3A_133, %sub3A_155 : vector<1024x768xf32>
    %add3A_157 = arith.constant 9.99999974E-6 : f32
    %add3A_158 = vector.broadcast %add3A_157 : f32 to vector<1024x1xf32>
    %add3A_159 = arith.addf %div3A_154, %add3A_158 : vector<1024x1xf32>
    %sqrt3A_160 = math.sqrt %add3A_159 : vector<1024x1xf32>
    %div3A_161 = vector.broadcast %sqrt3A_160 : vector<1024x1xf32> to vector<1024x768xf32>
    %div3A_162 = arith.divf %sub3A_156, %div3A_161 : vector<1024x768xf32>
    %mul3A_163 = vector.broadcast %reshape3A_136 : vector<1x768xf32> to vector<1024x768xf32>
    %mul3A_164 = arith.mulf %div3A_162, %mul3A_163 : vector<1024x768xf32>
    %add3A_165 = vector.broadcast %reshape3A_139 : vector<1x768xf32> to vector<1024x768xf32>
    %add3A_166 = arith.addf %mul3A_164, %add3A_165 : vector<1024x768xf32>
    %max3A_167 = arith.constant 0.000000e+00 : f32
    %max3A_168 = vector.broadcast %max3A_167 : f32 to vector<1024x768xf32>
    %max3A_169 = arith.maximumf %add3A_166, %max3A_168 : vector<1024x768xf32>
    %get3A_170 = arith.constant 0 : index
    %get3A_171 = arith.constant 0 : index
    %get3A_172 = vector.load %arg6[%get3A_170, %get3A_171] : memref<768x256xf32, #tpu.memory_space<vmem>>, vector<768x256xf32>
    %dot_general3A_173 = arith.constant dense<0.000000e+00> : vector<1024x256xf32>
    %dot_general3A_174 = tpu.matmul %max3A_169, %get3A_172, %dot_general3A_173 {dimension_numbers = #tpu.dot_dimension_numbers<[1], [0], [0], [1], [0, 0, 1, 1], [], []>, transpose_lhs_hint = false} : vector<1024x768xf32>, vector<768x256xf32>, vector<1024x256xf32> -> vector<1024x256xf32>
    %get3A_175 = arith.constant 0 : index
    %get3A_176 = vector.load %arg7[%get3A_175] : memref<256xf32, #tpu.memory_space<vmem>>, vector<256xf32>
    %reshape3A_177 = vector.shape_cast %get3A_176 : vector<256xf32> to vector<1x256xf32>
    %add3A_178 = vector.broadcast %reshape3A_177 : vector<1x256xf32> to vector<1024x256xf32>
    %add3A_179 = arith.addf %dot_general3A_174, %add3A_178 : vector<1024x256xf32>
    %get3A_180 = arith.constant 0 : index
    %get3A_181 = vector.load %arg8[%get3A_180] : memref<256xf32, #tpu.memory_space<vmem>>, vector<256xf32>
    %reshape3A_182 = vector.shape_cast %get3A_181 : vector<256xf32> to vector<1x256xf32>
    %get3A_183 = arith.constant 0 : index
    %get3A_184 = vector.load %arg9[%get3A_183] : memref<256xf32, #tpu.memory_space<vmem>>, vector<256xf32>
    %reshape3A_185 = vector.shape_cast %get3A_184 : vector<256xf32> to vector<1x256xf32>
    %reduce_sum3A_186 = arith.constant dense<0.000000e+00> : vector<1024xf32>
    %reduce_sum3A_187 = vector.multi_reduction <add>, %add3A_179, %reduce_sum3A_186 [1] : vector<1024x256xf32> to vector<1024xf32>
    %broadcast_in_dim3A_188 = vector.shape_cast %reduce_sum3A_187 : vector<1024xf32> to vector<1024x1xf32>
    %div3A_189 = arith.constant 2.560000e+02 : f32
    %div3A_190 = vector.broadcast %div3A_189 : f32 to vector<1024x1xf32>
    %div3A_191 = arith.divf %broadcast_in_dim3A_188, %div3A_190 : vector<1024x1xf32>
    %sub3A_192 = vector.broadcast %div3A_191 : vector<1024x1xf32> to vector<1024x256xf32>
    %sub3A_193 = arith.subf %add3A_179, %sub3A_192 : vector<1024x256xf32>
    %integer_pow3A_194 = arith.mulf %sub3A_193, %sub3A_193 : vector<1024x256xf32>
    %reduce_sum3A_195 = arith.constant dense<0.000000e+00> : vector<1024xf32>
    %reduce_sum3A_196 = vector.multi_reduction <add>, %integer_pow3A_194, %reduce_sum3A_195 [1] : vector<1024x256xf32> to vector<1024xf32>
    %broadcast_in_dim3A_197 = vector.shape_cast %reduce_sum3A_196 : vector<1024xf32> to vector<1024x1xf32>
    %div3A_198 = arith.constant 2.560000e+02 : f32
    %div3A_199 = vector.broadcast %div3A_198 : f32 to vector<1024x1xf32>
    %div3A_200 = arith.divf %broadcast_in_dim3A_197, %div3A_199 : vector<1024x1xf32>
    %sub3A_201 = vector.broadcast %div3A_191 : vector<1024x1xf32> to vector<1024x256xf32>
    %sub3A_202 = arith.subf %add3A_179, %sub3A_201 : vector<1024x256xf32>
    %add3A_203 = arith.constant 9.99999974E-6 : f32
    %add3A_204 = vector.broadcast %add3A_203 : f32 to vector<1024x1xf32>
    %add3A_205 = arith.addf %div3A_200, %add3A_204 : vector<1024x1xf32>
    %sqrt3A_206 = math.sqrt %add3A_205 : vector<1024x1xf32>
    %div3A_207 = vector.broadcast %sqrt3A_206 : vector<1024x1xf32> to vector<1024x256xf32>
    %div3A_208 = arith.divf %sub3A_202, %div3A_207 : vector<1024x256xf32>
    %mul3A_209 = vector.broadcast %reshape3A_182 : vector<1x256xf32> to vector<1024x256xf32>
    %mul3A_210 = arith.mulf %div3A_208, %mul3A_209 : vector<1024x256xf32>
    %add3A_211 = vector.broadcast %reshape3A_185 : vector<1x256xf32> to vector<1024x256xf32>
    %add3A_212 = arith.addf %mul3A_210, %add3A_211 : vector<1024x256xf32>
    %max3A_213 = arith.constant 0.000000e+00 : f32
    %max3A_214 = vector.broadcast %max3A_213 : f32 to vector<1024x256xf32>
    %max3A_215 = arith.maximumf %add3A_212, %max3A_214 : vector<1024x256xf32>
    %mul3A_216 = arith.constant -2.000000e+00 : f32
    %mul3A_217 = vector.broadcast %mul3A_216 : f32 to vector<1024x256xf32>
    %mul3A_218 = arith.mulf %max3A_215, %mul3A_217 : vector<1024x256xf32>
    %dot_general3A_219 = arith.constant dense<0.000000e+00> : vector<1024x1024xf32>
    %dot_general3A_220 = tpu.matmul %mul3A_218, %get3A_3, %dot_general3A_219 {dimension_numbers = #tpu.dot_dimension_numbers<[1], [0], [0], [1], [0, 0, 1, 1], [], []>, transpose_lhs_hint = false} : vector<1024x256xf32>, vector<256x1024xf32>, vector<1024x1024xf32> -> vector<1024x1024xf32>
    %add3A_221 = vector.broadcast %get3A_6 : vector<1x1024xf32> to vector<1024x1024xf32>
    %add3A_222 = arith.addf %dot_general3A_220, %add3A_221 : vector<1024x1024xf32>
    %reduce_min3A_223 = arith.constant dense<0x7F800000> : vector<1024xf32>
    %reduce_min3A_224 = vector.multi_reduction <minimumf>, %add3A_222, %reduce_min3A_223 [1] : vector<1024x1024xf32> to vector<1024xf32>
    %broadcast_in_dim3A_225 = vector.shape_cast %reduce_min3A_224 : vector<1024xf32> to vector<1024x1xf32>
    %iota3A_226 = tpu.iota {dimensions = array<i32: 1>} : vector<1024x1024xi32>
    %le3A_227 = vector.broadcast %broadcast_in_dim3A_225 : vector<1024x1xf32> to vector<1024x1024xf32>
    %le3A_228 = arith.cmpf ole, %add3A_222, %le3A_227 : vector<1024x1024xf32>
    %jit3A_229 = arith.constant 1024 : i32
    %broadcast_in_dim3A_230 = vector.broadcast %jit3A_229 : i32 to vector<1024x1024xi32>
    %select_n3A_231 = arith.select %le3A_228, %iota3A_226, %broadcast_in_dim3A_230 : vector<1024x1024xi1>, vector<1024x1024xi32>
    %reduce_min3A_232 = arith.constant dense<2147483647> : vector<1024xi32>
    %reduce_min3A_233 = vector.multi_reduction <minsi>, %select_n3A_231, %reduce_min3A_232 [1] : vector<1024x1024xi32> to vector<1024xi32>
    %broadcast_in_dim3A_234 = vector.shape_cast %reduce_min3A_233 : vector<1024xi32> to vector<1024x1xi32>
    %swap3A_235 = arith.constant 1024 : index
    %swap3A_236 = arith.constant 0 : index
    %swap3A_237 = vector.load %arg11[%swap3A_235, %swap3A_236] : memref<2048x1xi32, #tpu.memory_space<vmem>>, vector<1024x1xi32>
    tpu.vector_store %arg11[%swap3A_235, %swap3A_236], %broadcast_in_dim3A_234 {strides = array<i32>} : memref<2048x1xi32, #tpu.memory_space<vmem>>, vector<1024x1xi32>,
    %mul3A_238 = arith.mulf %max3A_215, %max3A_215 : vector<1024x256xf32>
    %reduce_sum3A_239 = vector.shape_cast %mul3A_238 : vector<1024x256xf32> to vector<1x1024x256xf32>
    %reduce_sum3A_240 = arith.constant dense<0.000000e+00> : vector<1xf32>
    %reduce_sum3A_241 = vector.multi_reduction <add>, %reduce_sum3A_239, %reduce_sum3A_240 [1, 2] : vector<1x1024x256xf32> to vector<1xf32>
    %reduce_sum3A_242 = vector.shape_cast %reduce_sum3A_241 : vector<1xf32> to vector<1x1x1xf32>
    %reduce_sum3A_243 = vector.extract %reduce_sum3A_242[0, 0, 0] : f32 from vector<1x1x1xf32>
    %reduce_sum3A_244 = vector.shape_cast %broadcast_in_dim3A_225 : vector<1024x1xf32> to vector<1x1024x1xf32>
    %reduce_sum3A_245 = arith.constant dense<0.000000e+00> : vector<1xf32>
    %reduce_sum3A_246 = vector.multi_reduction <add>, %reduce_sum3A_244, %reduce_sum3A_245 [1, 2] : vector<1x1024x1xf32> to vector<1xf32>
    %reduce_sum3A_247 = vector.shape_cast %reduce_sum3A_246 : vector<1xf32> to vector<1x1x1xf32>
    %reduce_sum3A_248 = vector.extract %reduce_sum3A_247[0, 0, 0] : f32 from vector<1x1x1xf32>
    %add3A_249 = arith.addf %reduce_sum3A_243, %reduce_sum3A_248 : f32
    %add3A_250 = arith.addf %add3A_120, %add3A_249 : f32
    %eq3A_251 = arith.constant 0 : i32
    %eq3A_252 = arith.cmpi eq, %arg0, %eq3A_251 : i32
    %convert_element_type3A_253 = arith.extui %eq3A_252 : i1 to i32
    %cond3A_254 = arith.constant 0 : i32
    %cond3A_255 = arith.cmpi ne, %convert_element_type3A_253, %cond3A_254 : i32
    scf.if %cond3A_255 {
      %swap3A_265 = arith.constant 0 : index
      %swap3A_266 = arith.constant 0 : index
      %swap3A_267 = memref.load %arg15[%swap3A_265, %swap3A_266] : memref<1x1xf32, #tpu.memory_space<smem>>
      memref.store %add3A_250, %arg15[%swap3A_265, %swap3A_266] : memref<1x1xf32, #tpu.memory_space<smem>>
    } else {
    }
    %gt3A = arith.constant 0 : i32
    %gt3A_256 = arith.cmpi sgt, %arg0, %gt3A : i32
    %convert_element_type3A_257 = arith.extui %gt3A_256 : i1 to i32
    %cond3A_258 = arith.constant 0 : i32
    %cond3A_259 = arith.cmpi ne, %convert_element_type3A_257, %cond3A_258 : i32
    scf.if %cond3A_259 {
      %get3A_265 = arith.constant 0 : index
      %get3A_266 = arith.constant 0 : index
      %get3A_267 = memref.load %arg15[%get3A_265, %get3A_266] : memref<1x1xf32, #tpu.memory_space<smem>>
      %add3A_268 = arith.addf %get3A_267, %add3A_250 : f32
      %swap3A_269 = arith.constant 0 : index
      %swap3A_270 = arith.constant 0 : index
      %swap3A_271 = memref.load %arg15[%swap3A_269, %swap3A_270] : memref<1x1xf32, #tpu.memory_space<smem>>
      memref.store %add3A_268, %arg15[%swap3A_269, %swap3A_270] : memref<1x1xf32, #tpu.memory_space<smem>>
    } else {
    }
    %eq3A_260 = arith.constant 1 : i32
    %eq3A_261 = arith.cmpi eq, %arg0, %eq3A_260 : i32
    %convert_element_type3A_262 = arith.extui %eq3A_261 : i1 to i32
    %cond3A_263 = arith.constant 0 : i32
    %cond3A_264 = arith.cmpi ne, %convert_element_type3A_262, %cond3A_263 : i32
    scf.if %cond3A_264 {
      %get3A_265 = arith.constant 0 : index
      %get3A_266 = arith.constant 0 : index
      %get3A_267 = memref.load %arg15[%get3A_265, %get3A_266] : memref<1x1xf32, #tpu.memory_space<smem>>
      %div3A_268 = arith.constant 0x49800000 : f32
      %div3A_269 = arith.divf %get3A_267, %div3A_268 : f32
      %broadcast_in_dim3A_270 = vector.broadcast %div3A_269 : f32 to vector<1x1xf32>
      %swap3A_271 = arith.constant 0 : index
      %swap3A_272 = arith.constant 0 : index
      %swap3A_273 = vector.load %arg12[%swap3A_271, %swap3A_272] : memref<1x1xf32, #tpu.memory_space<vmem>>, vector<1x1xf32>
      tpu.vector_store %arg12[%swap3A_271, %swap3A_272], %broadcast_in_dim3A_270 {strides = array<i32>} : memref<1x1xf32, #tpu.memory_space<vmem>>, vector<1x1xf32>,
    } else {
    }
    return
  }
  func.func @transform_0(%arg0: i32) -> (i32, i32) {
    %c0_i32 = arith.constant 0 : i32
    %c0_i32_0 = arith.constant 0 : i32
    return %arg0, %c0_i32 : i32, i32
  }
  func.func @transform_1(%arg0: i32) -> (i32, i32) {
    %c0_i32 = arith.constant 0 : i32
    %c0_i32_0 = arith.constant 0 : i32
    %c0_i32_1 = arith.constant 0 : i32
    return %c0_i32, %c0_i32_0 : i32, i32
  }
  func.func @transform_2(%arg0: i32) -> i32 {
    %c0_i32 = arith.constant 0 : i32
    %c0_i32_0 = arith.constant 0 : i32
    return %c0_i32 : i32
  }
  func.func @transform_3(%arg0: i32) -> i32 {
    %c0_i32 = arith.constant 0 : i32
    %c0_i32_0 = arith.constant 0 : i32
    return %c0_i32 : i32
  }
  func.func @transform_4(%arg0: i32) -> i32 {
    %c0_i32 = arith.constant 0 : i32
    %c0_i32_0 = arith.constant 0 : i32
    return %c0_i32 : i32
  }
  func.func @transform_5(%arg0: i32) -> (i32, i32) {
    %c0_i32 = arith.constant 0 : i32
    %c0_i32_0 = arith.constant 0 : i32
    %c0_i32_1 = arith.constant 0 : i32
    return %c0_i32, %c0_i32_0 : i32, i32
  }
  func.func @transform_6(%arg0: i32) -> i32 {
    %c0_i32 = arith.constant 0 : i32
    %c0_i32_0 = arith.constant 0 : i32
    return %c0_i32 : i32
  }
  func.func @transform_7(%arg0: i32) -> i32 {
    %c0_i32 = arith.constant 0 : i32
    %c0_i32_0 = arith.constant 0 : i32
    return %c0_i32 : i32
  }
  func.func @transform_8(%arg0: i32) -> i32 {
    %c0_i32 = arith.constant 0 : i32
    %c0_i32_0 = arith.constant 0 : i32
    return %c0_i32 : i32
  }
  func.func @transform_9(%arg0: i32) -> (i32, i32) {
    %c0_i32 = arith.constant 0 : i32
    %c0_i32_0 = arith.constant 0 : i32
    %c0_i32_1 = arith.constant 0 : i32
    return %c0_i32, %c0_i32_0 : i32, i32
  }
  func.func @transform_10(%arg0: i32) -> (i32, i32) {
    %c0_i32 = arith.constant 0 : i32
    %c0_i32_0 = arith.constant 0 : i32
    return %arg0, %c0_i32 : i32, i32
  }
  func.func @transform_11(%arg0: i32) -> (i32, i32) {
    %c0_i32 = arith.constant 0 : i32
    %c0_i32_0 = arith.constant 0 : i32
    %c0_i32_1 = arith.constant 0 : i32
    return %c0_i32, %c0_i32_0 : i32, i32
  }
}

module attributes {stable_mosaic.version = 14 : i64} {
  func.func @_dec_body(%arg0: i32, %arg1: memref<2048x512xf32, #tpu.memory_space<vmem>>, %arg2: memref<2048x256xf32, #tpu.memory_space<vmem>>, %arg3: memref<256x768xf32, #tpu.memory_space<vmem>>, %arg4: memref<768xf32, #tpu.memory_space<vmem>>, %arg5: memref<768x512xf32, #tpu.memory_space<vmem>>, %arg6: memref<512xf32, #tpu.memory_space<vmem>>, %arg7: memref<256x256xf32, #tpu.memory_space<vmem>>, %arg8: memref<256xf32, #tpu.memory_space<vmem>>, %arg9: memref<256x128xf32, #tpu.memory_space<vmem>>, %arg10: memref<128xf32, #tpu.memory_space<vmem>>, %arg11: memref<1x1xf32, #tpu.memory_space<vmem>>, %arg12: memref<1x1xf32, #tpu.memory_space<vmem>>, %arg13: memref<1x1xf32, #tpu.memory_space<vmem>>, %arg14: memref<1x1xf32, #tpu.memory_space<vmem>>, %arg15: memref<1x1xf32, #tpu.memory_space<vmem>>, %arg16: memref<1x1xf32, #tpu.memory_space<vmem>>, %arg17: memref<32x256xf32, #tpu.memory_space<vmem>>, %arg18: memref<1x1xf32, #tpu.memory_space<smem>>) attributes {dimension_semantics = [#tpu.dimension_semantics<arbitrary>], iteration_bounds = array<i64: 2>, scalar_prefetch = 0 : i64, scratch_operands = 2 : i64, tpu.core_type = #tpu.core_type<tc>, window_params = [{transform_indices = @transform_0, window_bounds = array<i64: 2048, 512>}, {transform_indices = @transform_1, window_bounds = array<i64: 2048, 256>}, {pipeline_mode = #tpu.pipeline_mode<synchronous>, transform_indices = @transform_2, window_bounds = array<i64: 256, 768>}, {pipeline_mode = #tpu.pipeline_mode<synchronous>, transform_indices = @transform_3, window_bounds = array<i64: 768>}, {pipeline_mode = #tpu.pipeline_mode<synchronous>, transform_indices = @transform_4, window_bounds = array<i64: 768, 512>}, {pipeline_mode = #tpu.pipeline_mode<synchronous>, transform_indices = @transform_5, window_bounds = array<i64: 512>}, {pipeline_mode = #tpu.pipeline_mode<synchronous>, transform_indices = @transform_6, window_bounds = array<i64: 256, 256>}, {pipeline_mode = #tpu.pipeline_mode<synchronous>, transform_indices = @transform_7, window_bounds = array<i64: 256>}, {pipeline_mode = #tpu.pipeline_mode<synchronous>, transform_indices = @transform_8, window_bounds = array<i64: 256, 128>}, {pipeline_mode = #tpu.pipeline_mode<synchronous>, transform_indices = @transform_9, window_bounds = array<i64: 128>}, {pipeline_mode = #tpu.pipeline_mode<synchronous>, transform_indices = @transform_10, window_bounds = array<i64: 1, 1>}, {pipeline_mode = #tpu.pipeline_mode<synchronous>, transform_indices = @transform_11, window_bounds = array<i64: 1, 1>}, {pipeline_mode = #tpu.pipeline_mode<synchronous>, transform_indices = @transform_12, window_bounds = array<i64: 1, 1>}, {pipeline_mode = #tpu.pipeline_mode<synchronous>, transform_indices = @transform_13, window_bounds = array<i64: 1, 1>}, {pipeline_mode = #tpu.pipeline_mode<synchronous>, transform_indices = @transform_14, window_bounds = array<i64: 1, 1>}, {pipeline_mode = #tpu.pipeline_mode<synchronous>, transform_indices = @transform_15, window_bounds = array<i64: 1, 1>}]} {
    %get3A = arith.constant 0 : index
    %get3A_0 = arith.constant 0 : index
    %get3A_1 = vector.load %arg1[%get3A, %get3A_0] : memref<2048x512xf32, #tpu.memory_space<vmem>>, vector<1024x512xf32>
    %get3A_2 = arith.constant 0 : index
    %get3A_3 = arith.constant 0 : index
    %get3A_4 = vector.load %arg2[%get3A_2, %get3A_3] : memref<2048x256xf32, #tpu.memory_space<vmem>>, vector<1024x256xf32>
    %get3A_5 = arith.constant 0 : index
    %get3A_6 = arith.constant 0 : index
    %get3A_7 = vector.load %arg3[%get3A_5, %get3A_6] : memref<256x768xf32, #tpu.memory_space<vmem>>, vector<256x768xf32>
    %dot_general3A = arith.constant dense<0.000000e+00> : vector<1024x768xf32>
    %dot_general3A_8 = tpu.matmul %get3A_4, %get3A_7, %dot_general3A {dimension_numbers = #tpu.dot_dimension_numbers<[1], [0], [0], [1], [0, 0, 1, 1], [], []>, transpose_lhs_hint = false} : vector<1024x256xf32>, vector<256x768xf32>, vector<1024x768xf32> -> vector<1024x768xf32>
    %get3A_9 = arith.constant 0 : index
    %get3A_10 = vector.load %arg4[%get3A_9] : memref<768xf32, #tpu.memory_space<vmem>>, vector<768xf32>
    %reshape3A = vector.shape_cast %get3A_10 : vector<768xf32> to vector<1x768xf32>
    %add3A = vector.broadcast %reshape3A : vector<1x768xf32> to vector<1024x768xf32>
    %add3A_11 = arith.addf %dot_general3A_8, %add3A : vector<1024x768xf32>
    %max3A = arith.constant 0.000000e+00 : f32
    %max3A_12 = vector.broadcast %max3A : f32 to vector<1024x768xf32>
    %max3A_13 = arith.maximumf %add3A_11, %max3A_12 : vector<1024x768xf32>
    %get3A_14 = arith.constant 0 : index
    %get3A_15 = arith.constant 0 : index
    %get3A_16 = vector.load %arg5[%get3A_14, %get3A_15] : memref<768x512xf32, #tpu.memory_space<vmem>>, vector<768x512xf32>
    %dot_general3A_17 = arith.constant dense<0.000000e+00> : vector<1024x512xf32>
    %dot_general3A_18 = tpu.matmul %max3A_13, %get3A_16, %dot_general3A_17 {dimension_numbers = #tpu.dot_dimension_numbers<[1], [0], [0], [1], [0, 0, 1, 1], [], []>, transpose_lhs_hint = false} : vector<1024x768xf32>, vector<768x512xf32>, vector<1024x512xf32> -> vector<1024x512xf32>
    %get3A_19 = arith.constant 0 : index
    %get3A_20 = vector.load %arg6[%get3A_19] : memref<512xf32, #tpu.memory_space<vmem>>, vector<512xf32>
    %reshape3A_21 = vector.shape_cast %get3A_20 : vector<512xf32> to vector<1x512xf32>
    %add3A_22 = vector.broadcast %reshape3A_21 : vector<1x512xf32> to vector<1024x512xf32>
    %add3A_23 = arith.addf %dot_general3A_18, %add3A_22 : vector<1024x512xf32>
    %sub3A = arith.subf %add3A_23, %get3A_1 : vector<1024x512xf32>
    %integer_pow3A = arith.mulf %sub3A, %sub3A : vector<1024x512xf32>
    %reduce_sum3A = vector.shape_cast %integer_pow3A : vector<1024x512xf32> to vector<1x1024x512xf32>
    %reduce_sum3A_24 = arith.constant dense<0.000000e+00> : vector<1xf32>
    %reduce_sum3A_25 = vector.multi_reduction <add>, %reduce_sum3A, %reduce_sum3A_24 [1, 2] : vector<1x1024x512xf32> to vector<1xf32>
    %reduce_sum3A_26 = vector.shape_cast %reduce_sum3A_25 : vector<1xf32> to vector<1x1x1xf32>
    %reduce_sum3A_27 = vector.extract %reduce_sum3A_26[0, 0, 0] : f32 from vector<1x1x1xf32>
    %add3A_28 = arith.constant 0.000000e+00 : f32
    %add3A_29 = arith.addf %add3A_28, %reduce_sum3A_27 : f32
    %iota3A = tpu.iota {dimensions = array<i32: 0>} : vector<8x1024xi32>
    %iota3A_30 = tpu.iota {dimensions = array<i32: 1>} : vector<8x1024xi32>
    %jit3A = arith.constant 128 : i32
    %div3A = vector.broadcast %jit3A : i32 to vector<8x1024xi32>
    %div3A_31 = arith.divsi %iota3A_30, %div3A : vector<8x1024xi32>
    %sign3A = arith.constant 0 : i32
    %sign3A_32 = vector.broadcast %sign3A : i32 to vector<8x1024xi32>
    %sign3A_33 = arith.cmpi sgt, %iota3A_30, %sign3A_32 : vector<8x1024xi32>
    %sign3A_34 = arith.extui %sign3A_33 : vector<8x1024xi1> to vector<8x1024xi32>
    %sign3A_35 = arith.constant 0 : i32
    %sign3A_36 = vector.broadcast %sign3A_35 : i32 to vector<8x1024xi32>
    %sign3A_37 = arith.cmpi slt, %iota3A_30, %sign3A_36 : vector<8x1024xi32>
    %sign3A_38 = arith.extui %sign3A_37 : vector<8x1024xi1> to vector<8x1024xi32>
    %sign3A_39 = arith.subi %sign3A_34, %sign3A_38 : vector<8x1024xi32>
    %sign3A_40 = arith.constant 0 : i32
    %sign3A_41 = arith.cmpi sgt, %jit3A, %sign3A_40 : i32
    %sign3A_42 = arith.extui %sign3A_41 : i1 to i32
    %sign3A_43 = arith.constant 0 : i32
    %sign3A_44 = arith.cmpi slt, %jit3A, %sign3A_43 : i32
    %sign3A_45 = arith.extui %sign3A_44 : i1 to i32
    %sign3A_46 = arith.subi %sign3A_42, %sign3A_45 : i32
    %ne3A = vector.broadcast %sign3A_46 : i32 to vector<8x1024xi32>
    %ne3A_47 = arith.cmpi ne, %sign3A_39, %ne3A : vector<8x1024xi32>
    %rem3A = vector.broadcast %jit3A : i32 to vector<8x1024xi32>
    %rem3A_48 = arith.remsi %iota3A_30, %rem3A : vector<8x1024xi32>
    %ne3A_49 = arith.constant 0 : i32
    %ne3A_50 = vector.broadcast %ne3A_49 : i32 to vector<8x1024xi32>
    %ne3A_51 = arith.cmpi ne, %rem3A_48, %ne3A_50 : vector<8x1024xi32>
    %and3A = arith.andi %ne3A_47, %ne3A_51 : vector<8x1024xi1>
    %sub3A_52 = arith.constant 1 : i32
    %sub3A_53 = vector.broadcast %sub3A_52 : i32 to vector<8x1024xi32>
    %sub3A_54 = arith.subi %div3A_31, %sub3A_53 : vector<8x1024xi32>
    %select_n3A = arith.select %and3A, %sub3A_54, %div3A_31 : vector<8x1024xi1>, vector<8x1024xi32>
    %eq3A = arith.cmpi eq, %select_n3A, %iota3A : vector<8x1024xi32>
    %jit3A_55 = arith.constant 7.812500e-03 : f32
    %jit3A_56 = arith.constant 0.000000e+00 : f32
    %broadcast_in_dim3A = vector.broadcast %jit3A_55 : f32 to vector<8x1024xf32>
    %broadcast_in_dim3A_57 = vector.broadcast %jit3A_56 : f32 to vector<8x1024xf32>
    %select_n3A_58 = arith.select %eq3A, %broadcast_in_dim3A, %broadcast_in_dim3A_57 : vector<8x1024xi1>, vector<8x1024xf32>
    %dot_general3A_59 = arith.constant dense<0.000000e+00> : vector<8x256xf32>
    %dot_general3A_60 = tpu.matmul %select_n3A_58, %get3A_4, %dot_general3A_59 {dimension_numbers = #tpu.dot_dimension_numbers<[1], [0], [0], [1], [0, 0, 1, 1], [], []>, transpose_lhs_hint = false} : vector<8x1024xf32>, vector<1024x256xf32>, vector<8x256xf32> -> vector<8x256xf32>
    %mul3A = arith.constant 16 : i32
    %mul3A_61 = arith.muli %arg0, %mul3A : i32
    %add3A_62 = arith.constant 0 : i32
    %add3A_63 = arith.addi %mul3A_61, %add3A_62 : i32
    %swap3A = arith.index_cast %add3A_63 : i32 to index
    %swap3A_64 = arith.constant 0 : index
    %swap3A_65 = vector.load %arg17[%swap3A, %swap3A_64] : memref<32x256xf32, #tpu.memory_space<vmem>>, vector<8x256xf32>
    tpu.vector_store %arg17[%swap3A, %swap3A_64], %dot_general3A_60 {strides = array<i32>} : memref<32x256xf32, #tpu.memory_space<vmem>>, vector<8x256xf32>,
    %get3A_66 = arith.constant 1024 : index
    %get3A_67 = arith.constant 0 : index
    %get3A_68 = vector.load %arg1[%get3A_66, %get3A_67] : memref<2048x512xf32, #tpu.memory_space<vmem>>, vector<1024x512xf32>
    %get3A_69 = arith.constant 1024 : index
    %get3A_70 = arith.constant 0 : index
    %get3A_71 = vector.load %arg2[%get3A_69, %get3A_70] : memref<2048x256xf32, #tpu.memory_space<vmem>>, vector<1024x256xf32>
    %get3A_72 = arith.constant 0 : index
    %get3A_73 = arith.constant 0 : index
    %get3A_74 = vector.load %arg3[%get3A_72, %get3A_73] : memref<256x768xf32, #tpu.memory_space<vmem>>, vector<256x768xf32>
    %dot_general3A_75 = arith.constant dense<0.000000e+00> : vector<1024x768xf32>
    %dot_general3A_76 = tpu.matmul %get3A_71, %get3A_74, %dot_general3A_75 {dimension_numbers = #tpu.dot_dimension_numbers<[1], [0], [0], [1], [0, 0, 1, 1], [], []>, transpose_lhs_hint = false} : vector<1024x256xf32>, vector<256x768xf32>, vector<1024x768xf32> -> vector<1024x768xf32>
    %get3A_77 = arith.constant 0 : index
    %get3A_78 = vector.load %arg4[%get3A_77] : memref<768xf32, #tpu.memory_space<vmem>>, vector<768xf32>
    %reshape3A_79 = vector.shape_cast %get3A_78 : vector<768xf32> to vector<1x768xf32>
    %add3A_80 = vector.broadcast %reshape3A_79 : vector<1x768xf32> to vector<1024x768xf32>
    %add3A_81 = arith.addf %dot_general3A_76, %add3A_80 : vector<1024x768xf32>
    %max3A_82 = arith.constant 0.000000e+00 : f32
    %max3A_83 = vector.broadcast %max3A_82 : f32 to vector<1024x768xf32>
    %max3A_84 = arith.maximumf %add3A_81, %max3A_83 : vector<1024x768xf32>
    %get3A_85 = arith.constant 0 : index
    %get3A_86 = arith.constant 0 : index
    %get3A_87 = vector.load %arg5[%get3A_85, %get3A_86] : memref<768x512xf32, #tpu.memory_space<vmem>>, vector<768x512xf32>
    %dot_general3A_88 = arith.constant dense<0.000000e+00> : vector<1024x512xf32>
    %dot_general3A_89 = tpu.matmul %max3A_84, %get3A_87, %dot_general3A_88 {dimension_numbers = #tpu.dot_dimension_numbers<[1], [0], [0], [1], [0, 0, 1, 1], [], []>, transpose_lhs_hint = false} : vector<1024x768xf32>, vector<768x512xf32>, vector<1024x512xf32> -> vector<1024x512xf32>
    %get3A_90 = arith.constant 0 : index
    %get3A_91 = vector.load %arg6[%get3A_90] : memref<512xf32, #tpu.memory_space<vmem>>, vector<512xf32>
    %reshape3A_92 = vector.shape_cast %get3A_91 : vector<512xf32> to vector<1x512xf32>
    %add3A_93 = vector.broadcast %reshape3A_92 : vector<1x512xf32> to vector<1024x512xf32>
    %add3A_94 = arith.addf %dot_general3A_89, %add3A_93 : vector<1024x512xf32>
    %sub3A_95 = arith.subf %add3A_94, %get3A_68 : vector<1024x512xf32>
    %integer_pow3A_96 = arith.mulf %sub3A_95, %sub3A_95 : vector<1024x512xf32>
    %reduce_sum3A_97 = vector.shape_cast %integer_pow3A_96 : vector<1024x512xf32> to vector<1x1024x512xf32>
    %reduce_sum3A_98 = arith.constant dense<0.000000e+00> : vector<1xf32>
    %reduce_sum3A_99 = vector.multi_reduction <add>, %reduce_sum3A_97, %reduce_sum3A_98 [1, 2] : vector<1x1024x512xf32> to vector<1xf32>
    %reduce_sum3A_100 = vector.shape_cast %reduce_sum3A_99 : vector<1xf32> to vector<1x1x1xf32>
    %reduce_sum3A_101 = vector.extract %reduce_sum3A_100[0, 0, 0] : f32 from vector<1x1x1xf32>
    %add3A_102 = arith.addf %add3A_29, %reduce_sum3A_101 : f32
    %iota3A_103 = tpu.iota {dimensions = array<i32: 0>} : vector<8x1024xi32>
    %iota3A_104 = tpu.iota {dimensions = array<i32: 1>} : vector<8x1024xi32>
    %jit3A_105 = arith.constant 128 : i32
    %div3A_106 = vector.broadcast %jit3A_105 : i32 to vector<8x1024xi32>
    %div3A_107 = arith.divsi %iota3A_104, %div3A_106 : vector<8x1024xi32>
    %sign3A_108 = arith.constant 0 : i32
    %sign3A_109 = vector.broadcast %sign3A_108 : i32 to vector<8x1024xi32>
    %sign3A_110 = arith.cmpi sgt, %iota3A_104, %sign3A_109 : vector<8x1024xi32>
    %sign3A_111 = arith.extui %sign3A_110 : vector<8x1024xi1> to vector<8x1024xi32>
    %sign3A_112 = arith.constant 0 : i32
    %sign3A_113 = vector.broadcast %sign3A_112 : i32 to vector<8x1024xi32>
    %sign3A_114 = arith.cmpi slt, %iota3A_104, %sign3A_113 : vector<8x1024xi32>
    %sign3A_115 = arith.extui %sign3A_114 : vector<8x1024xi1> to vector<8x1024xi32>
    %sign3A_116 = arith.subi %sign3A_111, %sign3A_115 : vector<8x1024xi32>
    %sign3A_117 = arith.constant 0 : i32
    %sign3A_118 = arith.cmpi sgt, %jit3A_105, %sign3A_117 : i32
    %sign3A_119 = arith.extui %sign3A_118 : i1 to i32
    %sign3A_120 = arith.constant 0 : i32
    %sign3A_121 = arith.cmpi slt, %jit3A_105, %sign3A_120 : i32
    %sign3A_122 = arith.extui %sign3A_121 : i1 to i32
    %sign3A_123 = arith.subi %sign3A_119, %sign3A_122 : i32
    %ne3A_124 = vector.broadcast %sign3A_123 : i32 to vector<8x1024xi32>
    %ne3A_125 = arith.cmpi ne, %sign3A_116, %ne3A_124 : vector<8x1024xi32>
    %rem3A_126 = vector.broadcast %jit3A_105 : i32 to vector<8x1024xi32>
    %rem3A_127 = arith.remsi %iota3A_104, %rem3A_126 : vector<8x1024xi32>
    %ne3A_128 = arith.constant 0 : i32
    %ne3A_129 = vector.broadcast %ne3A_128 : i32 to vector<8x1024xi32>
    %ne3A_130 = arith.cmpi ne, %rem3A_127, %ne3A_129 : vector<8x1024xi32>
    %and3A_131 = arith.andi %ne3A_125, %ne3A_130 : vector<8x1024xi1>
    %sub3A_132 = arith.constant 1 : i32
    %sub3A_133 = vector.broadcast %sub3A_132 : i32 to vector<8x1024xi32>
    %sub3A_134 = arith.subi %div3A_107, %sub3A_133 : vector<8x1024xi32>
    %select_n3A_135 = arith.select %and3A_131, %sub3A_134, %div3A_107 : vector<8x1024xi1>, vector<8x1024xi32>
    %eq3A_136 = arith.cmpi eq, %select_n3A_135, %iota3A_103 : vector<8x1024xi32>
    %jit3A_137 = arith.constant 7.812500e-03 : f32
    %jit3A_138 = arith.constant 0.000000e+00 : f32
    %broadcast_in_dim3A_139 = vector.broadcast %jit3A_137 : f32 to vector<8x1024xf32>
    %broadcast_in_dim3A_140 = vector.broadcast %jit3A_138 : f32 to vector<8x1024xf32>
    %select_n3A_141 = arith.select %eq3A_136, %broadcast_in_dim3A_139, %broadcast_in_dim3A_140 : vector<8x1024xi1>, vector<8x1024xf32>
    %dot_general3A_142 = arith.constant dense<0.000000e+00> : vector<8x256xf32>
    %dot_general3A_143 = tpu.matmul %select_n3A_141, %get3A_71, %dot_general3A_142 {dimension_numbers = #tpu.dot_dimension_numbers<[1], [0], [0], [1], [0, 0, 1, 1], [], []>, transpose_lhs_hint = false} : vector<8x1024xf32>, vector<1024x256xf32>, vector<8x256xf32> -> vector<8x256xf32>
    %mul3A_144 = arith.constant 16 : i32
    %mul3A_145 = arith.muli %arg0, %mul3A_144 : i32
    %add3A_146 = arith.constant 8 : i32
    %add3A_147 = arith.addi %mul3A_145, %add3A_146 : i32
    %swap3A_148 = arith.index_cast %add3A_147 : i32 to index
    %swap3A_149 = arith.constant 0 : index
    %swap3A_150 = vector.load %arg17[%swap3A_148, %swap3A_149] : memref<32x256xf32, #tpu.memory_space<vmem>>, vector<8x256xf32>
    tpu.vector_store %arg17[%swap3A_148, %swap3A_149], %dot_general3A_143 {strides = array<i32>} : memref<32x256xf32, #tpu.memory_space<vmem>>, vector<8x256xf32>,
    %eq3A_151 = arith.constant 0 : i32
    %eq3A_152 = arith.cmpi eq, %arg0, %eq3A_151 : i32
    %convert_element_type3A = arith.extui %eq3A_152 : i1 to i32
    %cond3A = arith.constant 0 : i32
    %cond3A_153 = arith.cmpi ne, %convert_element_type3A, %cond3A : i32
    scf.if %cond3A_153 {
      %swap3A_163 = arith.constant 0 : index
      %swap3A_164 = arith.constant 0 : index
      %swap3A_165 = memref.load %arg18[%swap3A_163, %swap3A_164] : memref<1x1xf32, #tpu.memory_space<smem>>
      memref.store %add3A_102, %arg18[%swap3A_163, %swap3A_164] : memref<1x1xf32, #tpu.memory_space<smem>>
    } else {
    }
    %gt3A = arith.constant 0 : i32
    %gt3A_154 = arith.cmpi sgt, %arg0, %gt3A : i32
    %convert_element_type3A_155 = arith.extui %gt3A_154 : i1 to i32
    %cond3A_156 = arith.constant 0 : i32
    %cond3A_157 = arith.cmpi ne, %convert_element_type3A_155, %cond3A_156 : i32
    scf.if %cond3A_157 {
      %get3A_163 = arith.constant 0 : index
      %get3A_164 = arith.constant 0 : index
      %get3A_165 = memref.load %arg18[%get3A_163, %get3A_164] : memref<1x1xf32, #tpu.memory_space<smem>>
      %add3A_166 = arith.addf %get3A_165, %add3A_102 : f32
      %swap3A_167 = arith.constant 0 : index
      %swap3A_168 = arith.constant 0 : index
      %swap3A_169 = memref.load %arg18[%swap3A_167, %swap3A_168] : memref<1x1xf32, #tpu.memory_space<smem>>
      memref.store %add3A_166, %arg18[%swap3A_167, %swap3A_168] : memref<1x1xf32, #tpu.memory_space<smem>>
    } else {
    }
    %eq3A_158 = arith.constant 1 : i32
    %eq3A_159 = arith.cmpi eq, %arg0, %eq3A_158 : i32
    %convert_element_type3A_160 = arith.extui %eq3A_159 : i1 to i32
    %cond3A_161 = arith.constant 0 : i32
    %cond3A_162 = arith.cmpi ne, %convert_element_type3A_160, %cond3A_161 : i32
    scf.if %cond3A_162 {
      %get3A_163 = arith.constant 0 : index
      %get3A_164 = arith.constant 0 : index
      %get3A_165 = vector.load %arg17[%get3A_163, %get3A_164] : memref<32x256xf32, #tpu.memory_space<vmem>>, vector<32x256xf32>
      %get3A_166 = arith.constant 0 : index
      %get3A_167 = arith.constant 0 : index
      %get3A_168 = vector.load %arg7[%get3A_166, %get3A_167] : memref<256x256xf32, #tpu.memory_space<vmem>>, vector<256x256xf32>
      %dot_general3A_169 = arith.constant dense<0.000000e+00> : vector<32x256xf32>
      %dot_general3A_170 = tpu.matmul %get3A_165, %get3A_168, %dot_general3A_169 {dimension_numbers = #tpu.dot_dimension_numbers<[1], [0], [0], [1], [0, 0, 1, 1], [], []>, transpose_lhs_hint = false} : vector<32x256xf32>, vector<256x256xf32>, vector<32x256xf32> -> vector<32x256xf32>
      %get3A_171 = arith.constant 0 : index
      %get3A_172 = vector.load %arg8[%get3A_171] : memref<256xf32, #tpu.memory_space<vmem>>, vector<256xf32>
      %reshape3A_173 = vector.shape_cast %get3A_172 : vector<256xf32> to vector<1x256xf32>
      %add3A_174 = vector.broadcast %reshape3A_173 : vector<1x256xf32> to vector<32x256xf32>
      %add3A_175 = arith.addf %dot_general3A_170, %add3A_174 : vector<32x256xf32>
      %max3A_176 = arith.constant 0.000000e+00 : f32
      %max3A_177 = vector.broadcast %max3A_176 : f32 to vector<32x256xf32>
      %max3A_178 = arith.maximumf %add3A_175, %max3A_177 : vector<32x256xf32>
      %get3A_179 = arith.constant 0 : index
      %get3A_180 = arith.constant 0 : index
      %get3A_181 = vector.load %arg9[%get3A_179, %get3A_180] : memref<256x128xf32, #tpu.memory_space<vmem>>, vector<256x128xf32>
      %dot_general3A_182 = arith.constant dense<0.000000e+00> : vector<32x128xf32>
      %dot_general3A_183 = tpu.matmul %max3A_178, %get3A_181, %dot_general3A_182 {dimension_numbers = #tpu.dot_dimension_numbers<[1], [0], [0], [1], [0, 0, 1, 1], [], []>, transpose_lhs_hint = false} : vector<32x256xf32>, vector<256x128xf32>, vector<32x128xf32> -> vector<32x128xf32>
      %get3A_184 = arith.constant 0 : index
      %get3A_185 = vector.load %arg10[%get3A_184] : memref<128xf32, #tpu.memory_space<vmem>>, vector<128xf32>
      %reshape3A_186 = vector.shape_cast %get3A_185 : vector<128xf32> to vector<1x128xf32>
      %add3A_187 = vector.broadcast %reshape3A_186 : vector<1x128xf32> to vector<32x128xf32>
      %add3A_188 = arith.addf %dot_general3A_183, %add3A_187 : vector<32x128xf32>
      %mul3A_189 = arith.mulf %add3A_188, %add3A_188 : vector<32x128xf32>
      %reduce_sum3A_190 = arith.constant dense<0.000000e+00> : vector<32xf32>
      %reduce_sum3A_191 = vector.multi_reduction <add>, %mul3A_189, %reduce_sum3A_190 [1] : vector<32x128xf32> to vector<32xf32>
      %broadcast_in_dim3A_192 = vector.shape_cast %reduce_sum3A_191 : vector<32xf32> to vector<32x1xf32>
      %sqrt3A = math.sqrt %broadcast_in_dim3A_192 : vector<32x1xf32>
      %max3A_193 = arith.constant 9.99999996E-13 : f32
      %max3A_194 = vector.broadcast %max3A_193 : f32 to vector<32x1xf32>
      %max3A_195 = arith.maximumf %sqrt3A, %max3A_194 : vector<32x1xf32>
      %div3A_196 = vector.broadcast %max3A_195 : vector<32x1xf32> to vector<32x128xf32>
      %div3A_197 = arith.divf %add3A_188, %div3A_196 : vector<32x128xf32>
      %dot_general3A_198 = arith.constant dense<0.000000e+00> : vector<32x32xf32>
      %dot_general3A_199 = tpu.matmul %div3A_197, %div3A_197, %dot_general3A_198 {dimension_numbers = #tpu.dot_dimension_numbers<[1], [1], [0], [0], [0, 0, 1, 0], [], []>, transpose_lhs_hint = false} : vector<32x128xf32>, vector<32x128xf32>, vector<32x32xf32> -> vector<32x32xf32>
      %div3A_200 = arith.constant 1.000000e-01 : f32
      %div3A_201 = vector.broadcast %div3A_200 : f32 to vector<32x32xf32>
      %div3A_202 = arith.divf %dot_general3A_199, %div3A_201 : vector<32x32xf32>
      %reduce_max3A = arith.constant dense<0xFF800000> : vector<32xf32>
      %reduce_max3A_203 = vector.multi_reduction <maximumf>, %div3A_202, %reduce_max3A [1] : vector<32x32xf32> to vector<32xf32>
      %broadcast_in_dim3A_204 = vector.shape_cast %reduce_max3A_203 : vector<32xf32> to vector<32x1xf32>
      %sub3A_205 = vector.broadcast %broadcast_in_dim3A_204 : vector<32x1xf32> to vector<32x32xf32>
      %sub3A_206 = arith.subf %div3A_202, %sub3A_205 : vector<32x32xf32>
      %sub3A_207 = vector.broadcast %broadcast_in_dim3A_204 : vector<32x1xf32> to vector<32x32xf32>
      %sub3A_208 = arith.subf %div3A_202, %sub3A_207 : vector<32x32xf32>
      %exp3A = math.exp %sub3A_208 : vector<32x32xf32>
      %reduce_sum3A_209 = arith.constant dense<0.000000e+00> : vector<32xf32>
      %reduce_sum3A_210 = vector.multi_reduction <add>, %exp3A, %reduce_sum3A_209 [1] : vector<32x32xf32> to vector<32xf32>
      %broadcast_in_dim3A_211 = vector.shape_cast %reduce_sum3A_210 : vector<32xf32> to vector<32x1xf32>
      %log3A = math.log %broadcast_in_dim3A_211 : vector<32x1xf32>
      %sub3A_212 = vector.broadcast %log3A : vector<32x1xf32> to vector<32x32xf32>
      %sub3A_213 = arith.subf %sub3A_206, %sub3A_212 : vector<32x32xf32>
      %iota3A_214 = tpu.iota {dimensions = array<i32: 0>} : vector<32x32xi32>
      %iota3A_215 = tpu.iota {dimensions = array<i32: 1>} : vector<32x32xi32>
      %eq3A_216 = arith.cmpi eq, %iota3A_214, %iota3A_215 : vector<32x32xi32>
      %jit3A_217 = arith.constant 0.000000e+00 : f32
      %broadcast_in_dim3A_218 = vector.broadcast %jit3A_217 : f32 to vector<32x32xf32>
      %select_n3A_219 = arith.select %eq3A_216, %sub3A_213, %broadcast_in_dim3A_218 : vector<32x32xi1>, vector<32x32xf32>
      %reduce_sum3A_220 = vector.shape_cast %select_n3A_219 : vector<32x32xf32> to vector<1x32x32xf32>
      %reduce_sum3A_221 = arith.constant dense<0.000000e+00> : vector<1xf32>
      %reduce_sum3A_222 = vector.multi_reduction <add>, %reduce_sum3A_220, %reduce_sum3A_221 [1, 2] : vector<1x32x32xf32> to vector<1xf32>
      %reduce_sum3A_223 = vector.shape_cast %reduce_sum3A_222 : vector<1xf32> to vector<1x1x1xf32>
      %reduce_sum3A_224 = vector.extract %reduce_sum3A_223[0, 0, 0] : f32 from vector<1x1x1xf32>
      %neg3A = arith.constant 0.000000e+00 : f32
      %neg3A_225 = arith.subf %neg3A, %reduce_sum3A_224 : f32
      %div3A_226 = arith.constant 3.200000e+01 : f32
      %div3A_227 = arith.divf %neg3A_225, %div3A_226 : f32
      %get3A_228 = arith.constant 0 : index
      %get3A_229 = arith.constant 0 : index
      %get3A_230 = memref.load %arg18[%get3A_228, %get3A_229] : memref<1x1xf32, #tpu.memory_space<smem>>
      %div3A_231 = arith.constant 0x4A000000 : f32
      %div3A_232 = arith.divf %get3A_230, %div3A_231 : f32
      %get3A_233 = arith.constant 0 : index
      %get3A_234 = arith.constant 0 : index
      %get3A_235 = vector.load %arg11[%get3A_233, %get3A_234] : memref<1x1xf32, #tpu.memory_space<vmem>>, vector<1x1xf32>
      %get3A_236 = vector.extract %get3A_235[0, 0] : f32 from vector<1x1xf32>
      %broadcast_in_dim3A_237 = vector.broadcast %div3A_232 : f32 to vector<1x1xf32>
      %swap3A_238 = arith.constant 0 : index
      %swap3A_239 = arith.constant 0 : index
      %swap3A_240 = vector.load %arg12[%swap3A_238, %swap3A_239] : memref<1x1xf32, #tpu.memory_space<vmem>>, vector<1x1xf32>
      tpu.vector_store %arg12[%swap3A_238, %swap3A_239], %broadcast_in_dim3A_237 {strides = array<i32>} : memref<1x1xf32, #tpu.memory_space<vmem>>, vector<1x1xf32>,
      %broadcast_in_dim3A_241 = vector.broadcast %get3A_236 : f32 to vector<1x1xf32>
      %swap3A_242 = arith.constant 0 : index
      %swap3A_243 = arith.constant 0 : index
      %swap3A_244 = vector.load %arg13[%swap3A_242, %swap3A_243] : memref<1x1xf32, #tpu.memory_space<vmem>>, vector<1x1xf32>
      tpu.vector_store %arg13[%swap3A_242, %swap3A_243], %broadcast_in_dim3A_241 {strides = array<i32>} : memref<1x1xf32, #tpu.memory_space<vmem>>, vector<1x1xf32>,
      %broadcast_in_dim3A_245 = vector.broadcast %get3A_236 : f32 to vector<1x1xf32>
      %swap3A_246 = arith.constant 0 : index
      %swap3A_247 = arith.constant 0 : index
      %swap3A_248 = vector.load %arg14[%swap3A_246, %swap3A_247] : memref<1x1xf32, #tpu.memory_space<vmem>>, vector<1x1xf32>
      tpu.vector_store %arg14[%swap3A_246, %swap3A_247], %broadcast_in_dim3A_245 {strides = array<i32>} : memref<1x1xf32, #tpu.memory_space<vmem>>, vector<1x1xf32>,
      %broadcast_in_dim3A_249 = vector.broadcast %div3A_227 : f32 to vector<1x1xf32>
      %swap3A_250 = arith.constant 0 : index
      %swap3A_251 = arith.constant 0 : index
      %swap3A_252 = vector.load %arg15[%swap3A_250, %swap3A_251] : memref<1x1xf32, #tpu.memory_space<vmem>>, vector<1x1xf32>
      tpu.vector_store %arg15[%swap3A_250, %swap3A_251], %broadcast_in_dim3A_249 {strides = array<i32>} : memref<1x1xf32, #tpu.memory_space<vmem>>, vector<1x1xf32>,
      %mul3A_253 = arith.constant 2.500000e-01 : f32
      %mul3A_254 = arith.mulf %get3A_236, %mul3A_253 : f32
      %add3A_255 = arith.addf %div3A_232, %mul3A_254 : f32
      %add3A_256 = arith.addf %add3A_255, %get3A_236 : f32
      %mul3A_257 = arith.constant 1.000000e-01 : f32
      %mul3A_258 = arith.mulf %div3A_227, %mul3A_257 : f32
      %add3A_259 = arith.addf %add3A_256, %mul3A_258 : f32
      %broadcast_in_dim3A_260 = vector.broadcast %add3A_259 : f32 to vector<1x1xf32>
      %swap3A_261 = arith.constant 0 : index
      %swap3A_262 = arith.constant 0 : index
      %swap3A_263 = vector.load %arg16[%swap3A_261, %swap3A_262] : memref<1x1xf32, #tpu.memory_space<vmem>>, vector<1x1xf32>
      tpu.vector_store %arg16[%swap3A_261, %swap3A_262], %broadcast_in_dim3A_260 {strides = array<i32>} : memref<1x1xf32, #tpu.memory_space<vmem>>, vector<1x1xf32>,
    } else {
    }
    return
  }
  func.func @transform_0(%arg0: i32) -> (i32, i32) {
    %c0_i32 = arith.constant 0 : i32
    %c0_i32_0 = arith.constant 0 : i32
    return %arg0, %c0_i32 : i32, i32
  }
  func.func @transform_1(%arg0: i32) -> (i32, i32) {
    %c0_i32 = arith.constant 0 : i32
    %c0_i32_0 = arith.constant 0 : i32
    return %arg0, %c0_i32 : i32, i32
  }
  func.func @transform_2(%arg0: i32) -> (i32, i32) {
    %c0_i32 = arith.constant 0 : i32
    %c0_i32_0 = arith.constant 0 : i32
    %c0_i32_1 = arith.constant 0 : i32
    return %c0_i32, %c0_i32_0 : i32, i32
  }
  func.func @transform_3(%arg0: i32) -> i32 {
    %c0_i32 = arith.constant 0 : i32
    %c0_i32_0 = arith.constant 0 : i32
    return %c0_i32 : i32
  }
  func.func @transform_4(%arg0: i32) -> (i32, i32) {
    %c0_i32 = arith.constant 0 : i32
    %c0_i32_0 = arith.constant 0 : i32
    %c0_i32_1 = arith.constant 0 : i32
    return %c0_i32, %c0_i32_0 : i32, i32
  }
  func.func @transform_5(%arg0: i32) -> i32 {
    %c0_i32 = arith.constant 0 : i32
    %c0_i32_0 = arith.constant 0 : i32
    return %c0_i32 : i32
  }
  func.func @transform_6(%arg0: i32) -> (i32, i32) {
    %c0_i32 = arith.constant 0 : i32
    %c0_i32_0 = arith.constant 0 : i32
    %c0_i32_1 = arith.constant 0 : i32
    return %c0_i32, %c0_i32_0 : i32, i32
  }
  func.func @transform_7(%arg0: i32) -> i32 {
    %c0_i32 = arith.constant 0 : i32
    %c0_i32_0 = arith.constant 0 : i32
    return %c0_i32 : i32
  }
  func.func @transform_8(%arg0: i32) -> (i32, i32) {
    %c0_i32 = arith.constant 0 : i32
    %c0_i32_0 = arith.constant 0 : i32
    %c0_i32_1 = arith.constant 0 : i32
    return %c0_i32, %c0_i32_0 : i32, i32
  }
  func.func @transform_9(%arg0: i32) -> i32 {
    %c0_i32 = arith.constant 0 : i32
    %c0_i32_0 = arith.constant 0 : i32
    return %c0_i32 : i32
  }
  func.func @transform_10(%arg0: i32) -> (i32, i32) {
    %c0_i32 = arith.constant 0 : i32
    %c0_i32_0 = arith.constant 0 : i32
    %c0_i32_1 = arith.constant 0 : i32
    return %c0_i32, %c0_i32_0 : i32, i32
  }
  func.func @transform_11(%arg0: i32) -> (i32, i32) {
    %c0_i32 = arith.constant 0 : i32
    %c0_i32_0 = arith.constant 0 : i32
    %c0_i32_1 = arith.constant 0 : i32
    return %c0_i32, %c0_i32_0 : i32, i32
  }
  func.func @transform_12(%arg0: i32) -> (i32, i32) {
    %c0_i32 = arith.constant 0 : i32
    %c0_i32_0 = arith.constant 0 : i32
    %c0_i32_1 = arith.constant 0 : i32
    return %c0_i32, %c0_i32_0 : i32, i32
  }
  func.func @transform_13(%arg0: i32) -> (i32, i32) {
    %c0_i32 = arith.constant 0 : i32
    %c0_i32_0 = arith.constant 0 : i32
    %c0_i32_1 = arith.constant 0 : i32
    return %c0_i32, %c0_i32_0 : i32, i32
  }
  func.func @transform_14(%arg0: i32) -> (i32, i32) {
    %c0_i32 = arith.constant 0 : i32
    %c0_i32_0 = arith.constant 0 : i32
    %c0_i32_1 = arith.constant 0 : i32
    return %c0_i32, %c0_i32_0 : i32, i32
  }
  func.func @transform_15(%arg0: i32) -> (i32, i32) {
    %c0_i32 = arith.constant 0 : i32
    %c0_i32_0 = arith.constant 0 : i32
    %c0_i32_1 = arith.constant 0 : i32
    return %c0_i32, %c0_i32_0 : i32, i32
  }
}

</mosaic_0001>

<sc_bundles>
// kernel: kernel.5.cloned.1.call-start
scs
__scs_entry_jumppad:
0x0: {  	(pc) =	sbr.rel $0x88, $3  }
0x1: {  	(tag) =	ssettag $0x0;
	lr =	simm.s32 $0x1  }
0x2: {  	[smem:$0x3F8F] =	sst lr;
	_ =	strace $0xD0000000  }
0x3: {  	_ = 	snop  }
0x4: {  	_ = 	snop  }
0x5: {  	_ = 	snop  }
0x6: {  	_ = 	snop  }
0x7: {  	_ = 	snop  }
__scs_overlays_trampoline_lowered:
0x8: {  	[smem:$0x3F9E] =	sst s0  }
0x9: {  	[smem:$0x3F9F] =	sst s1  }
0xa: {  	[smem:$0x3FA0] =	sst s2  }
0xb: {  	[smem:$0x3FA1] =	sst s3  }
0xc: {  	[smem:$0x3FA2] =	sst s4  }
0xd: {  	[smem:$0x3FA3] =	sst s5  }
0xe: {  	[smem:$0x3FA4] =	sst s6  }
0xf: {  	[smem:$0x3FA5] =	sst s7  }
0x10: {  	[smem:$0x3FA6] =	sst s8  }
0x11: {  	[smem:$0x3FA7] =	sst s9;
	s0 =	simm.s32 @!p0 $0x0  }
0x12: {  	s1 =	sld [smem:$0x3F8D];
	s0 =	simm.s32 @p0 $0x1  }
0x13: {  	[smem:$0x3FA8] =	sst s0;
	s0 =	simm.s32 @!p1 $0x0  }
0x14: {  	s2 =	sld [smem:$0x3F8C];
	s0 =	simm.s32 @p1 $0x1  }
0x15: {  	[smem:$0x3FA9] =	sst s0;
	s0 =	simm.s32 @!p2 $0x0  }
0x16: {  	s3 =	sld [smem:$0x3FDB];
	s0 =	simm.s32 @p2 $0x1  }
0x17: {  	s4 =	simm.s32 $0x1BF5;
	[smem:$0x3FAB] =	sst s0  }
0x18: {  	s0 =	sld [smem:$0x3F8E];
	_ =	swait.ge [sflag:s4], $0x0  }
0x19: {  	s7 =	sld [smem:$0x3F8F]  }
0x1a: {  	s8 =	sadd.s32 $0xFFFFE003, lr  }
0x1b: {  	s9 =	sadd.s32 $0xFFFFFEF7, lr;
	s5 =	simm.s32 $0xFFFFFFFF;
	p2 =	slt.u32 s8, $0xFFFFF086  }
0x1c: {  	p1 =	slt.u32 s9, $0xF7A;
	s5 =	simm.s32 @!p2 $0x0  }
0x1d: {  	s5 =	simm.s32 @p1 $0x1;
	p0 =	seq.s32 s7, s2  }
0x1e: {  	s7 =	smul.u32 @!p0 $0xF7A, s2;
	p2 =	seq.s32 @!p0 s5, $0x0  }
0x1f: {  	s9 =	smul.u32 $0xF7A, s1;
	s8 =	simm.s32 @!p0 $0x1BF5;
	p2 =	por !p2, p0  }
0x20: {  	[sflag:s8] =	ssyncset.s32 @!p0 $0xFFFFF086;
	s6 =	sadd.s32 @!p0 s3, s7;
	s7 =	simm.s32 @!p0 $0x108  }
0x21: {  	s3 =	sadd.s32 s3, s9;
	s6 =	sadd.s32 @!p0 $0x88, s6;
	s7 =	simm.s32 @p2 $0x1082  }
0x22: {  	[simem:s7], [sflag:s8] =	dma.local @!p0 [hbm:s6], $0xF7A  }
0x23: {  	s9 =	sor.u32 $0xD0000000, s2;
	s6 =	simm.s32 $0x108;
	_ =	swait.ge @!p0 [sflag:s8], $0x0  }
0x24: {  	s3 =	sadd.s32 $0x88, s3;
	s6 =	simm.s32 @!p1 $0x1082;
	[sflag:s4] =	ssyncset.s32 $0xFFFFF086  }
0x25: {  	[simem:s6], [sflag:s4] =	dma.local [hbm:s3], $0xF7A  }
0x26: {  	[smem:$0x3F8F] =	sst s1;
	(tag) =	ssettag s2;
	_ =	strace s9  }
0x27: {  	s1 =	sld [smem:$0x3F9F]  }
0x28: {  	s2 =	sld [smem:$0x3FA0]  }
0x29: {  	s4 =	sld [smem:$0x3FA2]  }
0x2a: {  	p0 =	seq.s32 s5, $0x0;
	s5 =	sld [smem:$0x3FA3]  }
0x2b: {  	s6 =	sld [smem:$0x3FA4]  }
0x2c: {  	s7 =	sld [smem:$0x3FA5]  }
0x2d: {  	s3 =	simm.s32 $0x108;
	s8 =	sld [smem:$0x3FA6]  }
0x2e: {  	s3 =	simm.s32 @!p0 $0x1082;
	s9 =	sld [smem:$0x3FA7]  }
0x2f: {  	lr =	sadd.s32 s0, s3;
	s0 =	sld [smem:$0x3F9E]  }
0x30: {  	s3 =	sld [smem:$0x3FA1]  }
0x31: {  	[smem:$0x3FAA] =	sst s10  }
0x32: {  	s10 =	sld [smem:$0x3FA8];
	_ =	sdelay $0x3  }
0x33: {  	p0 =	seq.s32 s10, $0x1;
	s10 =	sld [smem:$0x3FAA];
	_ =	sdelay $0x3  }
0x34: {  	[smem:$0x3FAA] =	sst s10  }
0x35: {  	s10 =	sld [smem:$0x3FA9];
	_ =	sdelay $0x3  }
0x36: {  	p1 =	seq.s32 s10, $0x1;
	s10 =	sld [smem:$0x3FAA];
	_ =	sdelay $0x3  }
0x37: {  	[smem:$0x3FAA] =	sst s10  }
0x38: {  	s10 =	sld [smem:$0x3FAB]  }
0x39: {  	_ = 	snop;
	(pc) =	sbr.ind lr, $3  }
0x3a: {  	_ = 	snop  }
0x3b: {  	_ = 	snop  }
0x3c: {  	p2 =	seq.s32 s10, $0x1;
	s10 =	sld [smem:$0x3FAA]  }
0x3d: {  	_ =	shalt  }
0x3e: {  	_ =	shalt  }
0x3f: {  	_ =	shalt  }
0x40: {  	_ =	shalt  }
0x41: {  	_ =	shalt  }
0x42: {  	_ =	shalt  }
0x43: {  	_ =	shalt  }
0x44: {  	_ =	shalt  }
0x45: {  	_ =	shalt  }
0x46: {  	_ =	shalt  }
0x47: {  	_ =	shalt  }
0x48: {  	_ =	shalt  }
0x49: {  	_ =	shalt  }
0x4a: {  	_ =	shalt  }
0x4b: {  	_ =	shalt  }
0x4c: {  	_ =	shalt  }
0x4d: {  	_ =	shalt  }
0x4e: {  	_ =	shalt  }
0x4f: {  	_ =	shalt  }
0x50: {  	_ =	shalt  }
0x51: {  	_ =	shalt  }
0x52: {  	_ =	shalt  }
0x53: {  	_ =	shalt  }
0x54: {  	_ =	shalt  }
0x55: {  	_ =	shalt  }
0x56: {  	_ =	shalt  }
0x57: {  	_ =	shalt  }
0x58: {  	_ =	shalt  }
0x59: {  	_ =	shalt  }
0x5a: {  	_ =	shalt  }
0x5b: {  	_ =	shalt  }
0x5c: {  	_ =	shalt  }
0x5d: {  	_ =	shalt  }
0x5e: {  	_ =	shalt  }
0x5f: {  	_ =	shalt  }
0x60: {  	_ =	shalt  }
0x61: {  	_ =	shalt  }
0x62: {  	_ =	shalt  }
0x63: {  	_ =	shalt  }
0x64: {  	_ =	shalt  }
0x65: {  	_ =	shalt  }
0x66: {  	_ =	shalt  }
0x67: {  	_ =	shalt  }
0x68: {  	_ =	shalt  }
0x69: {  	_ =	shalt  }
0x6a: {  	_ =	shalt  }
0x6b: {  	_ =	shalt  }
0x6c: {  	_ =	shalt  }
0x6d: {  	_ =	shalt  }
0x6e: {  	_ =	shalt  }
0x6f: {  	_ =	shalt  }
0x70: {  	_ =	shalt  }
0x71: {  	_ =	shalt  }
0x72: {  	_ =	shalt  }
0x73: {  	_ =	shalt  }
0x74: {  	_ =	shalt  }
0x75: {  	_ =	shalt  }
0x76: {  	_ =	shalt  }
0x77: {  	_ =	shalt  }
0x78: {  	_ =	shalt  }
0x79: {  	_ =	shalt  }
0x7a: {  	_ =	shalt  }
0x7b: {  	_ =	shalt  }
0x7c: {  	_ =	shalt  }
0x7d: {  	_ =	shalt  }
0x7e: {  	_ =	shalt  }
0x7f: {  	_ =	shalt  }
0x80: {  	_ =	shalt  }
0x81: {  	_ =	shalt  }
0x82: {  	_ =	shalt  }
0x83: {  	_ =	shalt  }
0x84: {  	_ =	shalt  }
0x85: {  	_ =	shalt  }
0x86: {  	_ =	shalt  }
0x87: {  	_ =	shalt  }
.Lfunc_end0:
.L_simem_size_0:
called_computation_lowered:
.L_overlay_start_0:
0x88: {  	s2 =	sld [smem:$0x3FD9]  }
0x89: {  	s3 =	sld [smem:$0x3FFE];
	_ =	sdelay $0x1  }
0x8a: {  	s1 =	srdreg.scid  }
0x8b: {  	s0 =	sand.u32 $0x1, s1  }
0x8c: {  	s14 =	sshll.u32 s0, $0xA;
	s2 =	sadd.s32 s3, s2  }
0x8d: {  	s2 =	sadd.s32 s2, s14  }
0x8e: {  	[smem:$0x3FB6] =	sst s2  }
0x8f: {  	_ = 	snop  }
0x90: {  	s2 =	sld [smem:$0x3FD0];
	_ =	sdelay $0x2  }
0x91: {  	s4 =	simm.s32 $0xA;
	s5 =	simm.s32 $0x10;
	s15 =	sld [smem:$0x3FC0]  }
0x92: {  	[smem:s5], [sflag:s4] =	dma.local [hbm:s2], $0x1  }
0x93: {  	_ =	swait.eq [sflag:s4], $0x1  }
0x94: {  	[sflag:s4] =	ssyncset.done $0x0  }
0x95: {  	[sflag:s4] =	ssyncadd.s32 $0xFFFFFFFF  }
0x96: {  	s16 =	sld [smem:$0x10];
	(tm) =	ssettm $0x1  }
0x97: {  	s17 =	sld [smem:$0x3FFB];
	_ =	sdelay $0x3  }
0x98: {  	_ =	strace s17  }
0x99: {  	s4 =	sld [smem:$0x3FFC];
	_ =	sdelay $0x3  }
0x9a: {  	_ =	strace s4  }
0x9b: {  	s4 =	sld [smem:$0x3FFD];
	_ =	sdelay $0x3  }
0x9c: {  	_ =	strace s4  }
0x9d: {  	_ =	strace $0x8FFFFFFF  }
0x9e: {  	s18 =	sld [smem:$0x3FDB];
	_ =	sdelay $0x1  }
0x9f: {  	s19 =	simm.s32 $_scs_section_size  }
0xa0: {  	s6 =	simm.s32 $_size__tile_overlayer_lowered;
	s7 =	simm.s32 $_tile_overlayer_lowered  }
0xa1: {  	s22 =	simm.s32 $0x1BFF;
	s21 =	sshll.u32 s7, $0x1;
	s4 =	sadd.s32 s19, s18  }
0xa2: {  	s8 =	simm.s32 $0x0;
	s20 =	sshll.u32 s6, $0x1;
	s6 =	sadd.s32 s21, s4  }
0xa3: {  	[timem:s8], [sflag:s22] =	dma.local [hbm:s6], s20  }
0xa4: {  	_ =	swait.ge [sflag:s22], s20  }
0xa5: {  	s5 =	ssub.s32 $0x0, s20;
	[sflag:s22] =	ssyncset.done $0x0  }
0xa6: {  	[sflag:s22] =	ssyncadd.s32 s5;
	_ =	sdelay $0x1  }
0xa7: {  	s23 =	simm.s32 $0x1B8B  }
0xa8: {  	_ =	swait.ge [sflag:s23], $0x1  }
0xa9: {  	[sflag:s23] =	ssyncset.done $0x0  }
0xaa: {  	s25 =	simm.s32 $0x1B8E;
	s24 =	sld [smem:$0x3FFE];
	[sflag:s23] =	ssyncadd.s32 $0xFFFFFFFF  }
0xab: {  	s26 =	simm.s32 $execute0_lowered;
	[smem:$0x3FD2] =	sst s25  }
0xac: {  	s6 =	sshll.u32 s26, $0x1;
	_ =	strace $0x80000046;
	[dreg:$0x1] =	wrdreg $0xFFFFFFFF  }
0xad: {  	s28 =	simm.s32 $_size_execute0_lowered;
	s4 =	sadd.s32 s4, s6;
	[dreg:$0x0] =	wrdreg $0x0  }
0xae: {  	s6 =	sshll.u32 s28, $0x1;
	[dreg:$0x2] =	wrdreg s4  }
0xaf: {  	[dreg:$0x3] =	wrdreg s6  }
0xb0: {  	[dreg:$0x4] =	wrdreg $0xC0  }
0xb1: {  	_ =	task [dreg:s8], $0x5FFFF  }
0xb2: {  	[dreg:$0x1] =	wrdreg $0xFFFFFFFF  }
0xb3: {  	[dreg:$0x0] =	wrdreg $0x60  }
0xb4: {  	[dreg:$0x2] =	wrdreg s15  }
0xb5: {  	[dreg:$0x3] =	wrdreg s16  }
0xb6: {  	[dreg:$0x4] =	wrdreg s24  }
0xb7: {  	[dreg:$0x5] =	wrdreg $0x9  }
0xb8: {  	_ =	task.clear_ibuf [dreg:s8], $0x6FFFF;
	_ =	strace $0x90000046  }
0xb9: {  	s29 =	simm.s32 $0x9;
	_ =	strace $0x80000048  }
0xba: {  	_ =	swait.ge [sflag:s29], $0x1  }
0xbb: {  	[sflag:s29] =	ssyncadd.s32 $0xFFFFFFFF  }
0xbc: {  	_ =	strace $0x90000048  }
0xbd: {  	_ =	sfence  }
0xbe: {  	s30 =	sld [smem:$0x0];
	_ =	sdelay $0x2  }
0xbf: {  	s31 =	sshll.u32 s1, $0xD;
	s1 =	sshrl.u32 s1, $0x2  }
0xc0: {  	s3 =	sand.u32 $0x4000, s31;
	s1 =	sadd.s32 s1, s30  }
0xc1: {  	s0 =	sor.u32 s3, s0;
	s1 =	sshll.u32 s1, $0x11  }
0xc2: {  	s0 =	sor.u32 s1, s0  }
0xc3: {  	s0 =	sadd.s32 $0x8F2B, s0  }
0xc4: {  	[sflag:s0] =	ssyncadd.remote.s32 $0x1  }
0xc5: {  	_ =	sfence.sel $0xFFFF  }
0xc6: {  	[dreg:$0x0] =	wrdreg $0xFFFFFFFF;
	(pc) =	sbr.abs _section_cstart, $3  }
0xc7: {  	[dreg:$0x1] =	wrdreg $0xFFFFFFFF  }
0xc8: {  	_ =	task.clear_ibuf [dreg:s8], $0x2FFFF;
	_ =	strace $0x9FFFFFFF  }
0xc9: {  	(tm) =	ssettm $0x7FFFFFFF  }
tec
execute0_lowered:
.L_overlay_start_1:
0x0: {  	(tag) =	ssettag $0x1  }
0x1: {  	s1 =	rddreg [dreg:$0x0]  }
0x2: {  	s4 =	rddreg [dreg:$0x1]  }
0x3: {  	s5 =	rddreg [dreg:$0x2];
	s3 =	srdreg.scid  }
0x4: {  	s0 =	rddreg [dreg:$0x3];
	s2 =	stileid.u32;
	s10 =	simm.s32 $0x1080  }
0x5: {  	s11 =	simm.s32 $0x1880;
	s12 =	simm.s32 $0x2080;
	s13 =	simm.s32 $0x2880  }
0x6: {  	s14 =	simm.s32 $0x3080;
	s15 =	simm.s32 $0x3880;
	s16 =	simm.s32 $0x4080  }
0x7: {  	s17 =	simm.s32 $0x4880;
	s18 =	simm.s32 $0x5080;
	s19 =	simm.s32 $0x5880  }
0x8: {  	s20 =	simm.s32 $0x6080;
	s21 =	simm.s32 $0x6880;
	s22 =	simm.s32 $0x7080  }
0x9: {  	s23 =	simm.s32 $0x7880;
	s24 =	simm.s32 $0x1;
	s6 =	sand.u32 $0x1, s3  }
0xa: {  	s3 =	simm.s32 $0x0;
	s7 =	sshll.u32 s2, $0x8;
	s8 =	sshll.u32 s6, $0x7  }
0xb: {  	[smem:$0x7FF] =	sst s3;
	s6 =	ssub.s32 $0x2, s6;
	s7 =	sor.u32 s8, s7  }
0xc: {  	_ =	strace $0x80000047;
	s9 =	sshrl.u32 s6, $0x1;
	s8 =	sshll.u32 s7, $0x5  }
0xd: {  	v2 =	vlaneseq.u32;
	s6 =	ssub.s32 s6, s9;
	s7 =	sshrl.u32 s7, $0x3;
	s9 =	simm.s32 $0x880  }
0xe: {  	vm0 =	vmmov $0xffff;
	v1 =	vshrl.u32 v2, $0x3;
	s5 =	sadd.s32 s8, s5;
	s4 =	sadd.s32 s4, s7;
	s6 =	smax.u32 s6, $0x1  }
0xf: {  	v0 =	vand.u32 $0x7, v2;
	v2 =	vor.u32 $0x8, v2;
	v1 =	vmul.u32 $0x8, v1;
	s7 =	simm.s32 $0x2;
	s8 =	simm.s32 $0x80;
	s5 =	sadd.s32 $0x3400, s5  }
.LBB2_1:
0x10: {  	[tilespmem:s3], [sflag:$0x2] =	stream.linear.gather [hbm4b:s4+s3], $0x80, $0x38;
	[tilespmem:$0x8080] =	vst v63  }
0x11: {  	_ =	swait.ge [sflag:s7], $0x80  }
0x12: {  	[sflag:s7] =	ssyncset.done $0x0  }
0x13: {  	[sflag:s7] =	ssyncadd.s32 $0xFFFFFF80  }
0x14: {  	v3 =	vld [tilespmem:$0x0];
	_ =	sdelay $0x4  }
0x15: {  	v4 =	vshll.u32 v3, $0x1  }
0x16: {  	v3 =	vand.u32 $0x7, v3;
	v4 =	vand.u32 $0xFFFFFFF0, v4  }
0x17: {  	v3 =	vor.u32 v3, v4  }
0x18: {  	v4 =	vperm.xlane v3, v0;
	_ =	sdelay $0x1  }
0x19: {  	v3 =	vperm.xlane v3, v2;
	v4 =	vadd.s32 v1, v4;
	_ =	sdelay $0x1  }
0x1a: {  	v3 =	vadd.s32 v1, v3;
	_ =	sdelay $0x2  }
0x1b: {  	[tilespmem:s8], [sflag:$0x1] =	stream.indirect_vreg.gather [hbm4b:s1+s3], $0x80, v4, vm0, $0xb8;
	[tilespmem:$0x8080] =	vst v63  }
0x1c: {  	_ = 	snop  }
0x1d: {  	[tilespmem:s9], [sflag:$0x1] =	stream.indirect_vreg.gather [hbm4b:s1+s3], $0x80, v3, vm0, $0xb8;
	[tilespmem:$0x8080] =	vst v63  }
0x1e: {  	v3 =	vld [tilespmem:$0x10];
	_ =	sdelay $0x4  }
0x1f: {  	v57 =	vshll.u32 v3, $0x1  }
0x20: {  	v3 =	vand.u32 $0x7, v3;
	v4 =	vand.u32 $0xFFFFFFF0, v57  }
0x21: {  	v3 =	vor.u32 v3, v4  }
0x22: {  	v4 =	vperm.xlane v3, v0;
	_ =	sdelay $0x1  }
0x23: {  	v3 =	vperm.xlane v3, v2;
	v4 =	vadd.s32 v1, v4;
	_ =	sdelay $0x1  }
0x24: {  	v3 =	vadd.s32 v1, v3;
	_ =	sdelay $0x2  }
0x25: {  	[tilespmem:s10], [sflag:$0x1] =	stream.indirect_vreg.gather [hbm4b:s1+s3], $0x80, v4, vm0, $0xb8;
	[tilespmem:$0x8080] =	vst v63  }
0x26: {  	_ = 	snop  }
0x27: {  	[tilespmem:s11], [sflag:$0x1] =	stream.indirect_vreg.gather [hbm4b:s1+s3], $0x80, v3, vm0, $0xb8;
	[tilespmem:$0x8080] =	vst v63  }
0x28: {  	v3 =	vld [tilespmem:$0x20];
	_ =	sdelay $0x4  }
0x29: {  	v58 =	vshll.u32 v3, $0x1  }
0x2a: {  	v3 =	vand.u32 $0x7, v3;
	v4 =	vand.u32 $0xFFFFFFF0, v58  }
0x2b: {  	v3 =	vor.u32 v3, v4  }
0x2c: {  	v4 =	vperm.xlane v3, v0;
	_ =	sdelay $0x1  }
0x2d: {  	v3 =	vperm.xlane v3, v2;
	v4 =	vadd.s32 v1, v4;
	_ =	sdelay $0x1  }
0x2e: {  	v3 =	vadd.s32 v1, v3;
	_ =	sdelay $0x2  }
0x2f: {  	[tilespmem:s12], [sflag:$0x1] =	stream.indirect_vreg.gather [hbm4b:s1+s3], $0x80, v4, vm0, $0xb8;
	[tilespmem:$0x8080] =	vst v63  }
0x30: {  	_ = 	snop  }
0x31: {  	[tilespmem:s13], [sflag:$0x1] =	stream.indirect_vreg.gather [hbm4b:s1+s3], $0x80, v3, vm0, $0xb8;
	[tilespmem:$0x8080] =	vst v63  }
0x32: {  	v3 =	vld [tilespmem:$0x30];
	_ =	sdelay $0x4  }
0x33: {  	v59 =	vshll.u32 v3, $0x1  }
0x34: {  	v3 =	vand.u32 $0x7, v3;
	v4 =	vand.u32 $0xFFFFFFF0, v59  }
0x35: {  	v3 =	vor.u32 v3, v4  }
0x36: {  	v4 =	vperm.xlane v3, v0;
	_ =	sdelay $0x1  }
0x37: {  	v3 =	vperm.xlane v3, v2;
	v4 =	vadd.s32 v1, v4;
	_ =	sdelay $0x1  }
0x38: {  	v3 =	vadd.s32 v1, v3;
	_ =	sdelay $0x2  }
0x39: {  	[tilespmem:s14], [sflag:$0x1] =	stream.indirect_vreg.gather [hbm4b:s1+s3], $0x80, v4, vm0, $0xb8;
	[tilespmem:$0x8080] =	vst v63  }
0x3a: {  	_ = 	snop  }
0x3b: {  	[tilespmem:s15], [sflag:$0x1] =	stream.indirect_vreg.gather [hbm4b:s1+s3], $0x80, v3, vm0, $0xb8;
	[tilespmem:$0x8080] =	vst v63  }
0x3c: {  	v3 =	vld [tilespmem:$0x40];
	_ =	sdelay $0x4  }
0x3d: {  	v60 =	vshll.u32 v3, $0x1  }
0x3e: {  	v3 =	vand.u32 $0x7, v3;
	v4 =	vand.u32 $0xFFFFFFF0, v60  }
0x3f: {  	v3 =	vor.u32 v3, v4  }
0x40: {  	v4 =	vperm.xlane v3, v0;
	_ =	sdelay $0x1  }
0x41: {  	v3 =	vperm.xlane v3, v2;
	v4 =	vadd.s32 v1, v4;
	_ =	sdelay $0x1  }
0x42: {  	v3 =	vadd.s32 v1, v3;
	_ =	sdelay $0x2  }
0x43: {  	[tilespmem:s16], [sflag:$0x1] =	stream.indirect_vreg.gather [hbm4b:s1+s3], $0x80, v4, vm0, $0xb8;
	[tilespmem:$0x8080] =	vst v63  }
0x44: {  	_ = 	snop  }
0x45: {  	[tilespmem:s17], [sflag:$0x1] =	stream.indirect_vreg.gather [hbm4b:s1+s3], $0x80, v3, vm0, $0xb8;
	[tilespmem:$0x8080] =	vst v63  }
0x46: {  	v3 =	vld [tilespmem:$0x50];
	_ =	sdelay $0x4  }
0x47: {  	v61 =	vshll.u32 v3, $0x1  }
0x48: {  	v3 =	vand.u32 $0x7, v3;
	v4 =	vand.u32 $0xFFFFFFF0, v61  }
0x49: {  	v3 =	vor.u32 v3, v4  }
0x4a: {  	v4 =	vperm.xlane v3, v0;
	_ =	sdelay $0x1  }
0x4b: {  	v3 =	vperm.xlane v3, v2;
	v4 =	vadd.s32 v1, v4;
	_ =	sdelay $0x1  }
0x4c: {  	v3 =	vadd.s32 v1, v3;
	_ =	sdelay $0x2  }
0x4d: {  	[tilespmem:s18], [sflag:$0x1] =	stream.indirect_vreg.gather [hbm4b:s1+s3], $0x80, v4, vm0, $0xb8;
	[tilespmem:$0x8080] =	vst v63  }
0x4e: {  	_ = 	snop  }
0x4f: {  	[tilespmem:s19], [sflag:$0x1] =	stream.indirect_vreg.gather [hbm4b:s1+s3], $0x80, v3, vm0, $0xb8;
	[tilespmem:$0x8080] =	vst v63  }
0x50: {  	v3 =	vld [tilespmem:$0x60];
	_ =	sdelay $0x4  }
0x51: {  	v62 =	vshll.u32 v3, $0x1  }
0x52: {  	v3 =	vand.u32 $0x7, v3;
	v4 =	vand.u32 $0xFFFFFFF0, v62  }
0x53: {  	v3 =	vor.u32 v3, v4  }
0x54: {  	v4 =	vperm.xlane v3, v0;
	_ =	sdelay $0x1  }
0x55: {  	v3 =	vperm.xlane v3, v2;
	v4 =	vadd.s32 v1, v4;
	_ =	sdelay $0x1  }
0x56: {  	v3 =	vadd.s32 v1, v3;
	_ =	sdelay $0x2  }
0x57: {  	[tilespmem:s20], [sflag:$0x1] =	stream.indirect_vreg.gather [hbm4b:s1+s3], $0x80, v4, vm0, $0xb8;
	[tilespmem:$0x8080] =	vst v63  }
0x58: {  	_ = 	snop  }
0x59: {  	[tilespmem:s21], [sflag:$0x1] =	stream.indirect_vreg.gather [hbm4b:s1+s3], $0x80, v3, vm0, $0xb8;
	[tilespmem:$0x8080] =	vst v63  }
0x5a: {  	v3 =	vld [tilespmem:$0x70];
	_ =	sdelay $0x4  }
0x5b: {  	v63 =	vshll.u32 v3, $0x1  }
0x5c: {  	v3 =	vand.u32 $0x7, v3;
	v4 =	vand.u32 $0xFFFFFFF0, v63  }
0x5d: {  	v3 =	vor.u32 v3, v4  }
0x5e: {  	v4 =	vperm.xlane v3, v0;
	_ =	sdelay $0x1  }
0x5f: {  	v3 =	vperm.xlane v3, v2;
	v4 =	vadd.s32 v1, v4;
	_ =	sdelay $0x1  }
0x60: {  	v3 =	vadd.s32 v1, v3;
	_ =	sdelay $0x2  }
0x61: {  	[tilespmem:s22], [sflag:$0x1] =	stream.indirect_vreg.gather [hbm4b:s1+s3], $0x80, v4, vm0, $0xb8;
	[tilespmem:$0x8080] =	vst v63  }
0x62: {  	_ = 	snop  }
0x63: {  	[tilespmem:s23], [sflag:$0x1] =	stream.indirect_vreg.gather [hbm4b:s1+s3], $0x80, v3, vm0, $0xb8;
	[tilespmem:$0x8080] =	vst v63  }
0x64: {  	_ =	swait.ge [sflag:s24], $0x8000  }
0x65: {  	p0 =	sne.s32 s6, $0x1;
	[sflag:s24] =	ssyncset.done $0x0  }
.Ltmp0:
0x66: {  	[sflag:s24] =	ssyncadd.s32 $0xFFFF8000;
	(pc) =	sbr.rel @p0 .LBB2_1-.Ltmp0, $4  }
0x67: {  	[hbm4b:s5+s3] =	stream.linear.scatter [tilespmem:s8], [sflag:$0x2], $0x8000, $0x38;
	[tilespmem:$0x8080] =	vst v63  }
0x68: {  	_ =	swait.ge [sflag:s7], $0x8000  }
0x69: {  	[sflag:s7] =	ssyncset.done $0x0  }
0x6a: {  	s6 =	sadd.s32 $0xFFFFFFFF, s6;
	[sflag:s7] =	ssyncadd.s32 $0xFFFF8000  }
0x6b: {  	_ =	sfence.sel $0x180000  }
0x6c: {  	[bflag:$0x0] =	sbarrier.arrive $0xFFFF  }
0x6d: {  	p0 =	sne.s32 s2, $0x0;
	_ =	strace $0x90000047  }
0x6e: {  	s0 =	sadd.s32 @!p0 $0x100000, s0;
	[bflag:$0x2] =	sbarrier.arrive $0xFFFF  }
0x6f: {  	[sflag:s0] =	ssyncadd.tile.s32 @!p0 $0x1;
	_ =	shalt  }
.Lfunc_end2:
_tile_overlayer_lowered:
.L_overlay_start_2:
0x70: {  	(tag) =	ssettag $0x2  }
0x71: {  	s0 =	rddreg [dreg:$0x0];
	s2 =	stileid.u32  }
0x72: {  	s1 =	rddreg [dreg:$0x1];
	p0 =	sne.s32 s2, $0x0  }
0x73: {  	s3 =	rddreg [dreg:$0x2];
	[bflag:$0x3] =	sbarrier.arrive $0xFFFF;
	s2 =	simm.s32 @!p0 $0x1C02  }
0x74: {  	[timem:s3], [sflag:s2] =	dma.local @!p0 [hbm:s0], s1  }
0x75: {  	s0 =	simm.s32 @!p0 $0x2  }
0x76: {  	_ =	swait.ge @!p0 [sflag:s0], s1  }
0x77: {  	s1 =	ssub.s32 @!p0 $0x0, s1;
	[sflag:s0] =	ssyncset.done @!p0 $0x0  }
0x78: {  	[sflag:s0] =	ssyncadd.s32 @!p0 s1  }
0x79: {  	[bflag:$0x3] =	sbarrier.arrive $0xFFFF  }
0x7a: {  	_ =	shalt  }

</sc_bundles>
